<compile_context>
chip_gen: v7x
topology: tpu7x:2x2x1
jax: 0.10.2.dev20260603
libtpu: 0.0.44.dev20260713+nightly
codegen_flags: <defaults>
</compile_context>

<pallas_src>
import functools

import jax
import jax.numpy as jnp
from jax import lax
from jax.experimental import pallas as pl
from jax.experimental.pallas import tpu as pltpu
from jax.experimental.pallas import tpu_sc as plsc

B = 16384
S = 77
D = 64
DP = 128
EOS = 49407
NC = 2
NS = 16
NW = NC * NS
ROWS_PER_W = B // NW
CB = 1
NCHUNK = ROWS_PER_W // CB
NBUF = 4
LANES = 16


def _emb_body(ids_hbm, table_hbm, pos_hbm, out_hbm, pos_v,
              idx0, idx1, idx2, idx3, gb0, gb1, gb2, gb3,
              sb0, sb1, sb2, sb3,
              si0, si1, si2, si3, sg0, sg1, sg2, sg3, ss0, ss1, ss2, ss3):
    idx = [idx0, idx1, idx2, idx3]
    gb = [gb0, gb1, gb2, gb3]
    sb = [sb0, sb1, sb2, sb3]
    si = [si0, si1, si2, si3]
    sg = [sg0, sg1, sg2, sg3]
    ss = [ss0, ss1, ss2, ss3]

    wid = lax.axis_index("s") * NC + lax.axis_index("c")
    base_row = wid * ROWS_PER_W

    pltpu.sync_copy(pos_hbm, pos_v)

    def start_idx(b, g):
        row0 = base_row + g * CB
        pltpu.async_copy(ids_hbm.at[pl.ds(row0, CB)], idx[b], si[b])

    def wait_idx(b, g):
        row0 = base_row + g * CB
        pltpu.make_async_copy(ids_hbm.at[pl.ds(row0, CB)], idx[b],
                              si[b]).wait()

    def start_gathers(b):
        for c in range(CB):
            pltpu.async_copy(table_hbm.at[idx[b].at[c]], gb[b].at[c], sg[b])

    def wait_gathers(b):
        for c in range(CB):
            pltpu.make_async_copy(table_hbm.at[idx[b].at[c]], gb[b].at[c],
                                  sg[b]).wait()

    def add_pos(b):
        def s_body(s, carry):
            for c in range(CB):
                for j in range(D // LANES):
                    p = pos_v[s, pl.ds(j * LANES, LANES)]
                    sb[b][c, s, pl.ds(j * LANES, LANES)] = (
                        gb[b][c, s, pl.ds(j * LANES, LANES)] + p)
            return carry

        lax.fori_loop(0, S, s_body, 0)

    def start_store(b, g):
        row0 = base_row + g * CB
        pltpu.async_copy(sb[b], out_hbm.at[pl.ds(row0, CB)], ss[b])

    def wait_store(b, g):
        row0 = base_row + g * CB
        pltpu.make_async_copy(sb[b], out_hbm.at[pl.ds(row0, CB)], ss[b]).wait()

    for h in range(3):
        start_idx(h, h)
    for h in range(2):
        wait_idx(h, h)
        start_gathers(h)

    def outer_body(i, carry):
        for bb in range(NBUF):
            g = i * NBUF + bb
            b = bb
            wait_gathers(b)
            add_pos(b)
            start_store(b, g)
            bn = (bb + 2) % NBUF
            bi = (bb + 3) % NBUF

            @pl.when(g + 2 < NCHUNK)
            def _():
                @pl.when(g >= 2)
                def _():
                    wait_store(bn, g - 2)

                wait_idx(bn, g + 2)
                start_gathers(bn)

            @pl.when(g + 3 < NCHUNK)
            def _():
                start_idx(bi, g + 3)

        return carry

    lax.fori_loop(0, NCHUNK // NBUF, outer_body, 0)

    for k in range(NBUF):
        g = NCHUNK - NBUF + k
        wait_store(g % NBUF, g)


_scr_idx = [pltpu.VMEM((CB, S), jnp.int32) for _ in range(NBUF)]
_scr_gb = [pltpu.VMEM((CB, S, DP), jnp.float32) for _ in range(NBUF)]
_scr_sb = [pltpu.VMEM((CB, S, D), jnp.float32) for _ in range(NBUF)]
_scr_sem = [pltpu.SemaphoreType.DMA for _ in range(3 * NBUF)]

_emb = functools.partial(
    pl.kernel,
    out_type=jax.ShapeDtypeStruct((B, S, D), jnp.float32),
    mesh=plsc.VectorSubcoreMesh(core_axis_name="c", subcore_axis_name="s"),
    scratch_types=[pltpu.VMEM((S, D), jnp.float32)]
    + _scr_idx + _scr_gb + _scr_sb + _scr_sem,
)(_emb_body)


def _mask_body(ids_ref, m_ref):
    m_ref[...] = ids_ref[...] == EOS


_mask = pl.pallas_call(
    _mask_body,
    out_shape=jax.ShapeDtypeStruct((B, S), jnp.bool_),
)


def kernel(input_ids, text_embedding, positional_embedding):
    ids = input_ids.astype(jnp.int32)
    table_p = jnp.pad(text_embedding, ((0, 0), (0, DP - D)))
    tokens = _emb(ids, table_p, positional_embedding)
    mask = _mask(ids)
    return tokens, mask

# --- scband reference (transcript-rebuilt; emitter-appended) ---
"""Pipeline reference for scband-text-preprocessor-3925600109388 (READ-ONLY COPY).

The authoritative reference and input builder live on the scoring server;
editing this copy changes nothing except your own understanding.
"""

import jax, jax.numpy as jnp
import numpy as np

VOCAB_SIZE = 100000
EMBED_DIM = 64
MAX_CONTEXT_LENGTH = 77
EOS_TOKEN_ID = 49407
BATCH = 16384
SEQ = 77


def setup_inputs(seed: int = 0) -> dict:
    key = jax.random.key(seed)
    k_ids, k_emb, k_pos = jax.random.split(key, 3)
    input_ids = jax.random.randint(k_ids, (BATCH, SEQ), 0, VOCAB_SIZE, dtype=jnp.int64 if jax.config.jax_enable_x64 else jnp.int32)
    text_embedding = jax.random.normal(k_emb, (VOCAB_SIZE, EMBED_DIM), dtype=jnp.float32) * 0.02
    positional_embedding = jax.random.normal(k_pos, (MAX_CONTEXT_LENGTH, EMBED_DIM), dtype=jnp.float32) * 0.02
    return {
        "input_ids": input_ids,
        "text_embedding": text_embedding,
        "positional_embedding": positional_embedding,
    }


def reference(input_ids, text_embedding, positional_embedding):
    N = input_ids.shape[1]
    max_len = min(N, MAX_CONTEXT_LENGTH)
    eos_token_mask = input_ids == EOS_TOKEN_ID
    # embedding lookup: gather rows of the table -> [B, N, D]
    tokens = jnp.take(text_embedding, input_ids, axis=0)
    tokens = tokens[:, :max_len] + positional_embedding[:max_len][None, :, :]
    return (tokens, eos_token_mask)

if __name__ == "__main__":
    import jax
    _d = setup_inputs()
    print(jax.jit(kernel)(*tuple(_d.values())))

</pallas_src>

<mosaic_0001>
#map = affine_map<(d0, d1) -> (0, 0)>
#map1 = affine_map<(d0, d1) -> (0, 0, 0)>
module attributes {stable_mosaic.version = 14 : i64} {
  func.func @_emb_body(%arg0: i32, %arg1: i32, %arg2: memref<16384x77xi32, #tpu.memory_space<hbm>>, %arg3: memref<100000x128xf32, #tpu.memory_space<hbm>>, %arg4: memref<77x64xf32, #tpu.memory_space<hbm>>, %arg5: memref<16384x77x64xf32, #tpu.memory_space<hbm>>, %arg6: memref<77x64xf32, #tpu.memory_space<vmem>>, %arg7: memref<1x77xi32, #tpu.memory_space<vmem>>, %arg8: memref<1x77xi32, #tpu.memory_space<vmem>>, %arg9: memref<1x77xi32, #tpu.memory_space<vmem>>, %arg10: memref<1x77xi32, #tpu.memory_space<vmem>>, %arg11: memref<1x77x128xf32, #tpu.memory_space<vmem>>, %arg12: memref<1x77x128xf32, #tpu.memory_space<vmem>>, %arg13: memref<1x77x128xf32, #tpu.memory_space<vmem>>, %arg14: memref<1x77x128xf32, #tpu.memory_space<vmem>>, %arg15: memref<1x77x64xf32, #tpu.memory_space<vmem>>, %arg16: memref<1x77x64xf32, #tpu.memory_space<vmem>>, %arg17: memref<1x77x64xf32, #tpu.memory_space<vmem>>, %arg18: memref<1x77x64xf32, #tpu.memory_space<vmem>>, %arg19: memref<!tpu.dma_semaphore, #tpu.memory_space<semaphore_mem>>, %arg20: memref<!tpu.dma_semaphore, #tpu.memory_space<semaphore_mem>>, %arg21: memref<!tpu.dma_semaphore, #tpu.memory_space<semaphore_mem>>, %arg22: memref<!tpu.dma_semaphore, #tpu.memory_space<semaphore_mem>>, %arg23: memref<!tpu.dma_semaphore, #tpu.memory_space<semaphore_mem>>, %arg24: memref<!tpu.dma_semaphore, #tpu.memory_space<semaphore_mem>>, %arg25: memref<!tpu.dma_semaphore, #tpu.memory_space<semaphore_mem>>, %arg26: memref<!tpu.dma_semaphore, #tpu.memory_space<semaphore_mem>>, %arg27: memref<!tpu.dma_semaphore, #tpu.memory_space<semaphore_mem>>, %arg28: memref<!tpu.dma_semaphore, #tpu.memory_space<semaphore_mem>>, %arg29: memref<!tpu.dma_semaphore, #tpu.memory_space<semaphore_mem>>, %arg30: memref<!tpu.dma_semaphore, #tpu.memory_space<semaphore_mem>>) attributes {dimension_semantics = [#tpu.dimension_semantics<core_parallel>, #tpu.dimension_semantics<subcore_parallel>], iteration_bounds = array<i64: 2, 16>, scalar_prefetch = 0 : i64, scratch_operands = 25 : i64, tpu.core_type = #tpu.core_type<sc_vector_subcore>, window_params = [{transform_indices = #map}, {transform_indices = #map}, {transform_indices = #map}, {transform_indices = #map1}]} {
    %mul3A = arith.constant 2 : i32
    %mul3A_0 = arith.muli %arg1, %mul3A : i32
    %add3A = arith.addi %mul3A_0, %arg0 : i32
    %mul3A_1 = arith.constant 512 : i32
    %mul3A_2 = arith.muli %add3A, %mul3A_1 : i32
    "tpu.region"() ({
      %run_scoped3A = tpu.sem_alloc : memref<!tpu.dma_semaphore, #tpu.memory_space<semaphore_mem>>
      tpu.enqueue_dma source(%arg4 : memref<77x64xf32, #tpu.memory_space<hbm>>) target(%arg6 : memref<77x64xf32, #tpu.memory_space<vmem>>) target_semaphore(%run_scoped3A : memref<!tpu.dma_semaphore, #tpu.memory_space<semaphore_mem>>)
      tpu.wait_dma2 semaphore(%run_scoped3A : memref<!tpu.dma_semaphore, #tpu.memory_space<semaphore_mem>>) src(%arg4 : memref<77x64xf32, #tpu.memory_space<hbm>>) dst(%arg6 : memref<77x64xf32, #tpu.memory_space<vmem>>)
      tpu.yield
    }) : () -> ()
    %add3A_3 = arith.constant 0 : i32
    %add3A_4 = arith.addi %mul3A_2, %add3A_3 : i32
    %dma_start3A = arith.constant 0 : i32
    %dma_start3A_5 = tpu.memref_slice %arg2[%add3A_4, %dma_start3A] : memref<16384x77xi32, #tpu.memory_space<hbm>> -> memref<1x77xi32, #tpu.memory_space<hbm>>
    %dma_start3A_6 = arith.constant 0 : i32
    %dma_start3A_7 = tpu.memref_slice %arg2[%add3A_4, %dma_start3A_6] : memref<16384x77xi32, #tpu.memory_space<hbm>> -> memref<1x77xi32, #tpu.memory_space<hbm>>
    tpu.enqueue_dma source(%dma_start3A_7 : memref<1x77xi32, #tpu.memory_space<hbm>>) target(%arg7 : memref<1x77xi32, #tpu.memory_space<vmem>>) target_semaphore(%arg19 : memref<!tpu.dma_semaphore, #tpu.memory_space<semaphore_mem>>)
    %add3A_8 = arith.constant 1 : i32
    %add3A_9 = arith.addi %mul3A_2, %add3A_8 : i32
    %dma_start3A_10 = arith.constant 0 : i32
    %dma_start3A_11 = tpu.memref_slice %arg2[%add3A_9, %dma_start3A_10] : memref<16384x77xi32, #tpu.memory_space<hbm>> -> memref<1x77xi32, #tpu.memory_space<hbm>>
    %dma_start3A_12 = arith.constant 0 : i32
    %dma_start3A_13 = tpu.memref_slice %arg2[%add3A_9, %dma_start3A_12] : memref<16384x77xi32, #tpu.memory_space<hbm>> -> memref<1x77xi32, #tpu.memory_space<hbm>>
    tpu.enqueue_dma source(%dma_start3A_13 : memref<1x77xi32, #tpu.memory_space<hbm>>) target(%arg8 : memref<1x77xi32, #tpu.memory_space<vmem>>) target_semaphore(%arg20 : memref<!tpu.dma_semaphore, #tpu.memory_space<semaphore_mem>>)
    %add3A_14 = arith.constant 2 : i32
    %add3A_15 = arith.addi %mul3A_2, %add3A_14 : i32
    %dma_start3A_16 = arith.constant 0 : i32
    %dma_start3A_17 = tpu.memref_slice %arg2[%add3A_15, %dma_start3A_16] : memref<16384x77xi32, #tpu.memory_space<hbm>> -> memref<1x77xi32, #tpu.memory_space<hbm>>
    %dma_start3A_18 = arith.constant 0 : i32
    %dma_start3A_19 = tpu.memref_slice %arg2[%add3A_15, %dma_start3A_18] : memref<16384x77xi32, #tpu.memory_space<hbm>> -> memref<1x77xi32, #tpu.memory_space<hbm>>
    tpu.enqueue_dma source(%dma_start3A_19 : memref<1x77xi32, #tpu.memory_space<hbm>>) target(%arg9 : memref<1x77xi32, #tpu.memory_space<vmem>>) target_semaphore(%arg21 : memref<!tpu.dma_semaphore, #tpu.memory_space<semaphore_mem>>)
    %add3A_20 = arith.constant 0 : i32
    %add3A_21 = arith.addi %mul3A_2, %add3A_20 : i32
    %dma_wait3A = arith.constant 0 : i32
    %dma_wait3A_22 = tpu.memref_slice %arg2[%add3A_21, %dma_wait3A] : memref<16384x77xi32, #tpu.memory_space<hbm>> -> memref<1x77xi32, #tpu.memory_space<hbm>>
    %dma_wait3A_23 = arith.constant 0 : i32
    %dma_wait3A_24 = tpu.memref_slice %arg2[%add3A_21, %dma_wait3A_23] : memref<16384x77xi32, #tpu.memory_space<hbm>> -> memref<1x77xi32, #tpu.memory_space<hbm>>
    tpu.wait_dma2 semaphore(%arg19 : memref<!tpu.dma_semaphore, #tpu.memory_space<semaphore_mem>>) src(%dma_wait3A_24 : memref<1x77xi32, #tpu.memory_space<hbm>>) dst(%arg7 : memref<1x77xi32, #tpu.memory_space<vmem>>)
    %dma_start3A_25 = arith.constant 0 : i32
    %dma_start3A_26 = arith.constant 0 : i32
    %dma_start3A_27 = arith.constant 0 : i32
    %dma_start3A_28 = arith.constant 0 : i32
    %dma_start3A_29 = tpu.memref_slice %arg11[%dma_start3A_26, %dma_start3A_27, %dma_start3A_28] : memref<1x77x128xf32, #tpu.memory_space<vmem>> -> memref<1x77x128xf32, #tpu.memory_space<vmem>>
    %dma_start3A_30 = tpu.memref_squeeze %dma_start3A_29 : memref<1x77x128xf32, #tpu.memory_space<vmem>> -> memref<77x128xf32, #tpu.memory_space<vmem>>
    %dma_start3A_31 = arith.constant 0 : i32
    %dma_start3A_32 = tpu.memref_slice %arg7[%dma_start3A_25, %dma_start3A_31] : memref<1x77xi32, #tpu.memory_space<vmem>> -> memref<1x77xi32, #tpu.memory_space<vmem>>
    %dma_start3A_33 = tpu.memref_squeeze %dma_start3A_32 : memref<1x77xi32, #tpu.memory_space<vmem>> -> memref<77xi32, #tpu.memory_space<vmem>>
    %dma_start3A_34 = arith.constant 0 : i32
    %dma_start3A_35 = arith.constant 0 : i32
    %dma_start3A_36 = tpu.memref_slice %arg3[%dma_start3A_34, %dma_start3A_35] : memref<100000x128xf32, #tpu.memory_space<hbm>> -> memref<100000x128xf32, #tpu.memory_space<hbm>>
    tpu.enqueue_indirect_dma source(%dma_start3A_36 : memref<100000x128xf32, #tpu.memory_space<hbm>>) target(%dma_start3A_30 : memref<77x128xf32, #tpu.memory_space<vmem>>) offsets(%dma_start3A_33 : memref<77xi32, #tpu.memory_space<vmem>>) semaphore(%arg23 : memref<!tpu.dma_semaphore, #tpu.memory_space<semaphore_mem>>)
    %add3A_37 = arith.constant 1 : i32
    %add3A_38 = arith.addi %mul3A_2, %add3A_37 : i32
    %dma_wait3A_39 = arith.constant 0 : i32
    %dma_wait3A_40 = tpu.memref_slice %arg2[%add3A_38, %dma_wait3A_39] : memref<16384x77xi32, #tpu.memory_space<hbm>> -> memref<1x77xi32, #tpu.memory_space<hbm>>
    %dma_wait3A_41 = arith.constant 0 : i32
    %dma_wait3A_42 = tpu.memref_slice %arg2[%add3A_38, %dma_wait3A_41] : memref<16384x77xi32, #tpu.memory_space<hbm>> -> memref<1x77xi32, #tpu.memory_space<hbm>>
    tpu.wait_dma2 semaphore(%arg20 : memref<!tpu.dma_semaphore, #tpu.memory_space<semaphore_mem>>) src(%dma_wait3A_42 : memref<1x77xi32, #tpu.memory_space<hbm>>) dst(%arg8 : memref<1x77xi32, #tpu.memory_space<vmem>>)
    %dma_start3A_43 = arith.constant 0 : i32
    %dma_start3A_44 = arith.constant 0 : i32
    %dma_start3A_45 = arith.constant 0 : i32
    %dma_start3A_46 = arith.constant 0 : i32
    %dma_start3A_47 = tpu.memref_slice %arg12[%dma_start3A_44, %dma_start3A_45, %dma_start3A_46] : memref<1x77x128xf32, #tpu.memory_space<vmem>> -> memref<1x77x128xf32, #tpu.memory_space<vmem>>
    %dma_start3A_48 = tpu.memref_squeeze %dma_start3A_47 : memref<1x77x128xf32, #tpu.memory_space<vmem>> -> memref<77x128xf32, #tpu.memory_space<vmem>>
    %dma_start3A_49 = arith.constant 0 : i32
    %dma_start3A_50 = tpu.memref_slice %arg8[%dma_start3A_43, %dma_start3A_49] : memref<1x77xi32, #tpu.memory_space<vmem>> -> memref<1x77xi32, #tpu.memory_space<vmem>>
    %dma_start3A_51 = tpu.memref_squeeze %dma_start3A_50 : memref<1x77xi32, #tpu.memory_space<vmem>> -> memref<77xi32, #tpu.memory_space<vmem>>
    %dma_start3A_52 = arith.constant 0 : i32
    %dma_start3A_53 = arith.constant 0 : i32
    %dma_start3A_54 = tpu.memref_slice %arg3[%dma_start3A_52, %dma_start3A_53] : memref<100000x128xf32, #tpu.memory_space<hbm>> -> memref<100000x128xf32, #tpu.memory_space<hbm>>
    tpu.enqueue_indirect_dma source(%dma_start3A_54 : memref<100000x128xf32, #tpu.memory_space<hbm>>) target(%dma_start3A_48 : memref<77x128xf32, #tpu.memory_space<vmem>>) offsets(%dma_start3A_51 : memref<77xi32, #tpu.memory_space<vmem>>) semaphore(%arg24 : memref<!tpu.dma_semaphore, #tpu.memory_space<semaphore_mem>>)
    %scan3A = arith.constant 0 : i32
    %scan3A_55 = arith.constant 0 : i32
    %scan3A_56 = arith.constant 128 : i32
    %scan3A_57 = arith.addi %scan3A_55, %scan3A_56 : i32
    %scan3A_58 = arith.constant 1 : i32
    scf.for %scan3A_92 = %scan3A_55 to %scan3A_57 step %scan3A_58  : i32 {
      %mul3A_93 = arith.constant 4 : i32
      %mul3A_94 = arith.muli %scan3A_92, %mul3A_93 : i32
      %add3A_95 = arith.constant 0 : i32
      %add3A_96 = arith.addi %mul3A_94, %add3A_95 : i32
      %dma_wait3A_97 = arith.constant 0 : i32
      %dma_wait3A_98 = arith.constant 0 : i32
      %dma_wait3A_99 = arith.constant 0 : i32
      %dma_wait3A_100 = arith.constant 0 : i32
      %dma_wait3A_101 = tpu.memref_slice %arg11[%dma_wait3A_98, %dma_wait3A_99, %dma_wait3A_100] : memref<1x77x128xf32, #tpu.memory_space<vmem>> -> memref<1x77x128xf32, #tpu.memory_space<vmem>>
      %dma_wait3A_102 = tpu.memref_squeeze %dma_wait3A_101 : memref<1x77x128xf32, #tpu.memory_space<vmem>> -> memref<77x128xf32, #tpu.memory_space<vmem>>
      %dma_wait3A_103 = arith.constant 0 : i32
      %dma_wait3A_104 = tpu.memref_slice %arg7[%dma_wait3A_97, %dma_wait3A_103] : memref<1x77xi32, #tpu.memory_space<vmem>> -> memref<1x77xi32, #tpu.memory_space<vmem>>
      %dma_wait3A_105 = tpu.memref_squeeze %dma_wait3A_104 : memref<1x77xi32, #tpu.memory_space<vmem>> -> memref<77xi32, #tpu.memory_space<vmem>>
      %dma_wait3A_106 = arith.constant 0 : i32
      %dma_wait3A_107 = arith.constant 0 : i32
      %dma_wait3A_108 = tpu.memref_slice %arg3[%dma_wait3A_106, %dma_wait3A_107] : memref<100000x128xf32, #tpu.memory_space<hbm>> -> memref<100000x128xf32, #tpu.memory_space<hbm>>
      tpu.wait_indirect_dma semaphore(%arg23 : memref<!tpu.dma_semaphore, #tpu.memory_space<semaphore_mem>>) src(%dma_wait3A_108 : memref<100000x128xf32, #tpu.memory_space<hbm>>) dst(%dma_wait3A_102 : memref<77x128xf32, #tpu.memory_space<vmem>>)
      %scan3A_109 = arith.constant 0 : i32
      %scan3A_110 = arith.constant 0 : i32
      %scan3A_111 = arith.constant 77 : i32
      %scan3A_112 = arith.addi %scan3A_110, %scan3A_111 : i32
      %scan3A_113 = arith.constant 1 : i32
      scf.for %scan3A_270 = %scan3A_110 to %scan3A_112 step %scan3A_113  : i32 {
        %get3A = arith.index_cast %scan3A_270 : i32 to index
        %get3A_271 = arith.constant 0 : index
        %get3A_272 = tpu.vector_load %arg6[%get3A, %get3A_271] {strides = array<i32>} : memref<77x64xf32, #tpu.memory_space<vmem>>, vector<1x16xf32>,
        %get3A_273 = vector.shape_cast %get3A_272 : vector<1x16xf32> to vector<16xf32>
        %get3A_274 = arith.constant 0 : i32
        %get3A_275 = arith.index_cast %get3A_274 : i32 to index
        %get3A_276 = arith.index_cast %scan3A_270 : i32 to index
        %get3A_277 = arith.constant 0 : index
        %get3A_278 = tpu.vector_load %arg11[%get3A_275, %get3A_276, %get3A_277] {strides = array<i32>} : memref<1x77x128xf32, #tpu.memory_space<vmem>>, vector<1x1x16xf32>,
        %get3A_279 = vector.shape_cast %get3A_278 : vector<1x1x16xf32> to vector<16xf32>
        %add3A_280 = arith.addf %get3A_279, %get3A_273 : vector<16xf32>
        %swap3A = arith.constant 0 : i32
        %swap3A_281 = arith.index_cast %swap3A : i32 to index
        %swap3A_282 = arith.index_cast %scan3A_270 : i32 to index
        %swap3A_283 = arith.constant 0 : index
        %swap3A_284 = tpu.vector_load %arg15[%swap3A_281, %swap3A_282, %swap3A_283] {strides = array<i32>} : memref<1x77x64xf32, #tpu.memory_space<vmem>>, vector<1x1x16xf32>,
        %swap3A_285 = vector.shape_cast %swap3A_284 : vector<1x1x16xf32> to vector<16xf32>
        %swap3A_286 = vector.shape_cast %add3A_280 : vector<16xf32> to vector<1x1x16xf32>
        tpu.vector_store %arg15[%swap3A_281, %swap3A_282, %swap3A_283], %swap3A_286 {strides = array<i32>} : memref<1x77x64xf32, #tpu.memory_space<vmem>>, vector<1x1x16xf32>,
        %get3A_287 = arith.index_cast %scan3A_270 : i32 to index
        %get3A_288 = arith.constant 16 : index
        %get3A_289 = tpu.vector_load %arg6[%get3A_287, %get3A_288] {strides = array<i32>} : memref<77x64xf32, #tpu.memory_space<vmem>>, vector<1x16xf32>,
        %get3A_290 = vector.shape_cast %get3A_289 : vector<1x16xf32> to vector<16xf32>
        %get3A_291 = arith.constant 0 : i32
        %get3A_292 = arith.index_cast %get3A_291 : i32 to index
        %get3A_293 = arith.index_cast %scan3A_270 : i32 to index
        %get3A_294 = arith.constant 16 : index
        %get3A_295 = tpu.vector_load %arg11[%get3A_292, %get3A_293, %get3A_294] {strides = array<i32>} : memref<1x77x128xf32, #tpu.memory_space<vmem>>, vector<1x1x16xf32>,
        %get3A_296 = vector.shape_cast %get3A_295 : vector<1x1x16xf32> to vector<16xf32>
        %add3A_297 = arith.addf %get3A_296, %get3A_290 : vector<16xf32>
        %swap3A_298 = arith.constant 0 : i32
        %swap3A_299 = arith.index_cast %swap3A_298 : i32 to index
        %swap3A_300 = arith.index_cast %scan3A_270 : i32 to index
        %swap3A_301 = arith.constant 16 : index
        %swap3A_302 = tpu.vector_load %arg15[%swap3A_299, %swap3A_300, %swap3A_301] {strides = array<i32>} : memref<1x77x64xf32, #tpu.memory_space<vmem>>, vector<1x1x16xf32>,
        %swap3A_303 = vector.shape_cast %swap3A_302 : vector<1x1x16xf32> to vector<16xf32>
        %swap3A_304 = vector.shape_cast %add3A_297 : vector<16xf32> to vector<1x1x16xf32>
        tpu.vector_store %arg15[%swap3A_299, %swap3A_300, %swap3A_301], %swap3A_304 {strides = array<i32>} : memref<1x77x64xf32, #tpu.memory_space<vmem>>, vector<1x1x16xf32>,
        %get3A_305 = arith.index_cast %scan3A_270 : i32 to index
        %get3A_306 = arith.constant 32 : index
        %get3A_307 = tpu.vector_load %arg6[%get3A_305, %get3A_306] {strides = array<i32>} : memref<77x64xf32, #tpu.memory_space<vmem>>, vector<1x16xf32>,
        %get3A_308 = vector.shape_cast %get3A_307 : vector<1x16xf32> to vector<16xf32>
        %get3A_309 = arith.constant 0 : i32
        %get3A_310 = arith.index_cast %get3A_309 : i32 to index
        %get3A_311 = arith.index_cast %scan3A_270 : i32 to index
        %get3A_312 = arith.constant 32 : index
        %get3A_313 = tpu.vector_load %arg11[%get3A_310, %get3A_311, %get3A_312] {strides = array<i32>} : memref<1x77x128xf32, #tpu.memory_space<vmem>>, vector<1x1x16xf32>,
        %get3A_314 = vector.shape_cast %get3A_313 : vector<1x1x16xf32> to vector<16xf32>
        %add3A_315 = arith.addf %get3A_314, %get3A_308 : vector<16xf32>
        %swap3A_316 = arith.constant 0 : i32
        %swap3A_317 = arith.index_cast %swap3A_316 : i32 to index
        %swap3A_318 = arith.index_cast %scan3A_270 : i32 to index
        %swap3A_319 = arith.constant 32 : index
        %swap3A_320 = tpu.vector_load %arg15[%swap3A_317, %swap3A_318, %swap3A_319] {strides = array<i32>} : memref<1x77x64xf32, #tpu.memory_space<vmem>>, vector<1x1x16xf32>,
        %swap3A_321 = vector.shape_cast %swap3A_320 : vector<1x1x16xf32> to vector<16xf32>
        %swap3A_322 = vector.shape_cast %add3A_315 : vector<16xf32> to vector<1x1x16xf32>
        tpu.vector_store %arg15[%swap3A_317, %swap3A_318, %swap3A_319], %swap3A_322 {strides = array<i32>} : memref<1x77x64xf32, #tpu.memory_space<vmem>>, vector<1x1x16xf32>,
        %get3A_323 = arith.index_cast %scan3A_270 : i32 to index
        %get3A_324 = arith.constant 48 : index
        %get3A_325 = tpu.vector_load %arg6[%get3A_323, %get3A_324] {strides = array<i32>} : memref<77x64xf32, #tpu.memory_space<vmem>>, vector<1x16xf32>,
        %get3A_326 = vector.shape_cast %get3A_325 : vector<1x16xf32> to vector<16xf32>
        %get3A_327 = arith.constant 0 : i32
        %get3A_328 = arith.index_cast %get3A_327 : i32 to index
        %get3A_329 = arith.index_cast %scan3A_270 : i32 to index
        %get3A_330 = arith.constant 48 : index
        %get3A_331 = tpu.vector_load %arg11[%get3A_328, %get3A_329, %get3A_330] {strides = array<i32>} : memref<1x77x128xf32, #tpu.memory_space<vmem>>, vector<1x1x16xf32>,
        %get3A_332 = vector.shape_cast %get3A_331 : vector<1x1x16xf32> to vector<16xf32>
        %add3A_333 = arith.addf %get3A_332, %get3A_326 : vector<16xf32>
        %swap3A_334 = arith.constant 0 : i32
        %swap3A_335 = arith.index_cast %swap3A_334 : i32 to index
        %swap3A_336 = arith.index_cast %scan3A_270 : i32 to index
        %swap3A_337 = arith.constant 48 : index
        %swap3A_338 = tpu.vector_load %arg15[%swap3A_335, %swap3A_336, %swap3A_337] {strides = array<i32>} : memref<1x77x64xf32, #tpu.memory_space<vmem>>, vector<1x1x16xf32>,
        %swap3A_339 = vector.shape_cast %swap3A_338 : vector<1x1x16xf32> to vector<16xf32>
        %swap3A_340 = vector.shape_cast %add3A_333 : vector<16xf32> to vector<1x1x16xf32>
        tpu.vector_store %arg15[%swap3A_335, %swap3A_336, %swap3A_337], %swap3A_340 {strides = array<i32>} : memref<1x77x64xf32, #tpu.memory_space<vmem>>, vector<1x1x16xf32>,
      }
      %scan3A_114 = arith.constant 77 : i32
      %mul3A_115 = arith.constant 1 : i32
      %mul3A_116 = arith.muli %add3A_96, %mul3A_115 : i32
      %add3A_117 = arith.addi %mul3A_2, %mul3A_116 : i32
      %dma_start3A_118 = arith.constant 0 : i32
      %dma_start3A_119 = arith.constant 0 : i32
      %dma_start3A_120 = tpu.memref_slice %arg5[%add3A_117, %dma_start3A_118, %dma_start3A_119] : memref<16384x77x64xf32, #tpu.memory_space<hbm>> -> memref<1x77x64xf32, #tpu.memory_space<hbm>>
      %dma_start3A_121 = arith.constant 0 : i32
      %dma_start3A_122 = arith.constant 0 : i32
      %dma_start3A_123 = tpu.memref_slice %arg5[%add3A_117, %dma_start3A_121, %dma_start3A_122] : memref<16384x77x64xf32, #tpu.memory_space<hbm>> -> memref<1x77x64xf32, #tpu.memory_space<hbm>>
      tpu.enqueue_dma source(%arg15 : memref<1x77x64xf32, #tpu.memory_space<vmem>>) target(%dma_start3A_123 : memref<1x77x64xf32, #tpu.memory_space<hbm>>) target_semaphore(%arg27 : memref<!tpu.dma_semaphore, #tpu.memory_space<semaphore_mem>>)
      %add3A_124 = arith.constant 2 : i32
      %add3A_125 = arith.addi %add3A_96, %add3A_124 : i32
      %lt3A = arith.constant 512 : i32
      %lt3A_126 = arith.cmpi slt, %add3A_125, %lt3A : i32
      %convert_element_type3A = arith.extui %lt3A_126 : i1 to i32
      %cond3A = arith.constant 0 : i32
      %cond3A_127 = arith.cmpi ne, %convert_element_type3A, %cond3A : i32
      scf.if %cond3A_127 {
        %ge3A = arith.constant 2 : i32
        %ge3A_270 = arith.cmpi sge, %add3A_96, %ge3A : i32
        %convert_element_type3A_271 = arith.extui %ge3A_270 : i1 to i32
        %cond3A_272 = arith.constant 0 : i32
        %cond3A_273 = arith.cmpi ne, %convert_element_type3A_271, %cond3A_272 : i32
        scf.if %cond3A_273 {
          %sub3A = arith.constant 2 : i32
          %sub3A_295 = arith.subi %add3A_96, %sub3A : i32
          %mul3A_296 = arith.constant 1 : i32
          %mul3A_297 = arith.muli %sub3A_295, %mul3A_296 : i32
          %add3A_298 = arith.addi %mul3A_2, %mul3A_297 : i32
          %dma_wait3A_299 = arith.constant 0 : i32
          %dma_wait3A_300 = arith.constant 0 : i32
          %dma_wait3A_301 = tpu.memref_slice %arg5[%add3A_298, %dma_wait3A_299, %dma_wait3A_300] : memref<16384x77x64xf32, #tpu.memory_space<hbm>> -> memref<1x77x64xf32, #tpu.memory_space<hbm>>
          %dma_wait3A_302 = arith.constant 0 : i32
          %dma_wait3A_303 = arith.constant 0 : i32
          %dma_wait3A_304 = tpu.memref_slice %arg5[%add3A_298, %dma_wait3A_302, %dma_wait3A_303] : memref<16384x77x64xf32, #tpu.memory_space<hbm>> -> memref<1x77x64xf32, #tpu.memory_space<hbm>>
          tpu.wait_dma2 semaphore(%arg29 : memref<!tpu.dma_semaphore, #tpu.memory_space<semaphore_mem>>) src(%arg17 : memref<1x77x64xf32, #tpu.memory_space<vmem>>) dst(%dma_wait3A_304 : memref<1x77x64xf32, #tpu.memory_space<hbm>>)
        } else {
        }
        %add3A_274 = arith.constant 2 : i32
        %add3A_275 = arith.addi %add3A_96, %add3A_274 : i32
        %mul3A_276 = arith.constant 1 : i32
        %mul3A_277 = arith.muli %add3A_275, %mul3A_276 : i32
        %add3A_278 = arith.addi %mul3A_2, %mul3A_277 : i32
        %dma_wait3A_279 = arith.constant 0 : i32
        %dma_wait3A_280 = tpu.memref_slice %arg2[%add3A_278, %dma_wait3A_279] : memref<16384x77xi32, #tpu.memory_space<hbm>> -> memref<1x77xi32, #tpu.memory_space<hbm>>
        %dma_wait3A_281 = arith.constant 0 : i32
        %dma_wait3A_282 = tpu.memref_slice %arg2[%add3A_278, %dma_wait3A_281] : memref<16384x77xi32, #tpu.memory_space<hbm>> -> memref<1x77xi32, #tpu.memory_space<hbm>>
        tpu.wait_dma2 semaphore(%arg21 : memref<!tpu.dma_semaphore, #tpu.memory_space<semaphore_mem>>) src(%dma_wait3A_282 : memref<1x77xi32, #tpu.memory_space<hbm>>) dst(%arg9 : memref<1x77xi32, #tpu.memory_space<vmem>>)
        %dma_start3A_283 = arith.constant 0 : i32
        %dma_start3A_284 = arith.constant 0 : i32
        %dma_start3A_285 = arith.constant 0 : i32
        %dma_start3A_286 = arith.constant 0 : i32
        %dma_start3A_287 = tpu.memref_slice %arg13[%dma_start3A_284, %dma_start3A_285, %dma_start3A_286] : memref<1x77x128xf32, #tpu.memory_space<vmem>> -> memref<1x77x128xf32, #tpu.memory_space<vmem>>
        %dma_start3A_288 = tpu.memref_squeeze %dma_start3A_287 : memref<1x77x128xf32, #tpu.memory_space<vmem>> -> memref<77x128xf32, #tpu.memory_space<vmem>>
        %dma_start3A_289 = arith.constant 0 : i32
        %dma_start3A_290 = tpu.memref_slice %arg9[%dma_start3A_283, %dma_start3A_289] : memref<1x77xi32, #tpu.memory_space<vmem>> -> memref<1x77xi32, #tpu.memory_space<vmem>>
        %dma_start3A_291 = tpu.memref_squeeze %dma_start3A_290 : memref<1x77xi32, #tpu.memory_space<vmem>> -> memref<77xi32, #tpu.memory_space<vmem>>
        %dma_start3A_292 = arith.constant 0 : i32
        %dma_start3A_293 = arith.constant 0 : i32
        %dma_start3A_294 = tpu.memref_slice %arg3[%dma_start3A_292, %dma_start3A_293] : memref<100000x128xf32, #tpu.memory_space<hbm>> -> memref<100000x128xf32, #tpu.memory_space<hbm>>
        tpu.enqueue_indirect_dma source(%dma_start3A_294 : memref<100000x128xf32, #tpu.memory_space<hbm>>) target(%dma_start3A_288 : memref<77x128xf32, #tpu.memory_space<vmem>>) offsets(%dma_start3A_291 : memref<77xi32, #tpu.memory_space<vmem>>) semaphore(%arg25 : memref<!tpu.dma_semaphore, #tpu.memory_space<semaphore_mem>>)
      } else {
      }
      %add3A_128 = arith.constant 3 : i32
      %add3A_129 = arith.addi %add3A_96, %add3A_128 : i32
      %lt3A_130 = arith.constant 512 : i32
      %lt3A_131 = arith.cmpi slt, %add3A_129, %lt3A_130 : i32
      %convert_element_type3A_132 = arith.extui %lt3A_131 : i1 to i32
      %cond3A_133 = arith.constant 0 : i32
      %cond3A_134 = arith.cmpi ne, %convert_element_type3A_132, %cond3A_133 : i32
      scf.if %cond3A_134 {
        %add3A_270 = arith.constant 3 : i32
        %add3A_271 = arith.addi %add3A_96, %add3A_270 : i32
        %mul3A_272 = arith.constant 1 : i32
        %mul3A_273 = arith.muli %add3A_271, %mul3A_272 : i32
        %add3A_274 = arith.addi %mul3A_2, %mul3A_273 : i32
        %dma_start3A_275 = arith.constant 0 : i32
        %dma_start3A_276 = tpu.memref_slice %arg2[%add3A_274, %dma_start3A_275] : memref<16384x77xi32, #tpu.memory_space<hbm>> -> memref<1x77xi32, #tpu.memory_space<hbm>>
        %dma_start3A_277 = arith.constant 0 : i32
        %dma_start3A_278 = tpu.memref_slice %arg2[%add3A_274, %dma_start3A_277] : memref<16384x77xi32, #tpu.memory_space<hbm>> -> memref<1x77xi32, #tpu.memory_space<hbm>>
        tpu.enqueue_dma source(%dma_start3A_278 : memref<1x77xi32, #tpu.memory_space<hbm>>) target(%arg10 : memref<1x77xi32, #tpu.memory_space<vmem>>) target_semaphore(%arg22 : memref<!tpu.dma_semaphore, #tpu.memory_space<semaphore_mem>>)
      } else {
      }
      %mul3A_135 = arith.constant 4 : i32
      %mul3A_136 = arith.muli %scan3A_92, %mul3A_135 : i32
      %add3A_137 = arith.constant 1 : i32
      %add3A_138 = arith.addi %mul3A_136, %add3A_137 : i32
      %dma_wait3A_139 = arith.constant 0 : i32
      %dma_wait3A_140 = arith.constant 0 : i32
      %dma_wait3A_141 = arith.constant 0 : i32
      %dma_wait3A_142 = arith.constant 0 : i32
      %dma_wait3A_143 = tpu.memref_slice %arg12[%dma_wait3A_140, %dma_wait3A_141, %dma_wait3A_142] : memref<1x77x128xf32, #tpu.memory_space<vmem>> -> memref<1x77x128xf32, #tpu.memory_space<vmem>>
      %dma_wait3A_144 = tpu.memref_squeeze %dma_wait3A_143 : memref<1x77x128xf32, #tpu.memory_space<vmem>> -> memref<77x128xf32, #tpu.memory_space<vmem>>
      %dma_wait3A_145 = arith.constant 0 : i32
      %dma_wait3A_146 = tpu.memref_slice %arg8[%dma_wait3A_139, %dma_wait3A_145] : memref<1x77xi32, #tpu.memory_space<vmem>> -> memref<1x77xi32, #tpu.memory_space<vmem>>
      %dma_wait3A_147 = tpu.memref_squeeze %dma_wait3A_146 : memref<1x77xi32, #tpu.memory_space<vmem>> -> memref<77xi32, #tpu.memory_space<vmem>>
      %dma_wait3A_148 = arith.constant 0 : i32
      %dma_wait3A_149 = arith.constant 0 : i32
      %dma_wait3A_150 = tpu.memref_slice %arg3[%dma_wait3A_148, %dma_wait3A_149] : memref<100000x128xf32, #tpu.memory_space<hbm>> -> memref<100000x128xf32, #tpu.memory_space<hbm>>
      tpu.wait_indirect_dma semaphore(%arg24 : memref<!tpu.dma_semaphore, #tpu.memory_space<semaphore_mem>>) src(%dma_wait3A_150 : memref<100000x128xf32, #tpu.memory_space<hbm>>) dst(%dma_wait3A_144 : memref<77x128xf32, #tpu.memory_space<vmem>>)
      %scan3A_151 = arith.constant 0 : i32
      %scan3A_152 = arith.constant 0 : i32
      %scan3A_153 = arith.constant 77 : i32
      %scan3A_154 = arith.addi %scan3A_152, %scan3A_153 : i32
      %scan3A_155 = arith.constant 1 : i32
      scf.for %scan3A_270 = %scan3A_152 to %scan3A_154 step %scan3A_155  : i32 {
        %get3A = arith.index_cast %scan3A_270 : i32 to index
        %get3A_271 = arith.constant 0 : index
        %get3A_272 = tpu.vector_load %arg6[%get3A, %get3A_271] {strides = array<i32>} : memref<77x64xf32, #tpu.memory_space<vmem>>, vector<1x16xf32>,
        %get3A_273 = vector.shape_cast %get3A_272 : vector<1x16xf32> to vector<16xf32>
        %get3A_274 = arith.constant 0 : i32
        %get3A_275 = arith.index_cast %get3A_274 : i32 to index
        %get3A_276 = arith.index_cast %scan3A_270 : i32 to index
        %get3A_277 = arith.constant 0 : index
        %get3A_278 = tpu.vector_load %arg12[%get3A_275, %get3A_276, %get3A_277] {strides = array<i32>} : memref<1x77x128xf32, #tpu.memory_space<vmem>>, vector<1x1x16xf32>,
        %get3A_279 = vector.shape_cast %get3A_278 : vector<1x1x16xf32> to vector<16xf32>
        %add3A_280 = arith.addf %get3A_279, %get3A_273 : vector<16xf32>
        %swap3A = arith.constant 0 : i32
        %swap3A_281 = arith.index_cast %swap3A : i32 to index
        %swap3A_282 = arith.index_cast %scan3A_270 : i32 to index
        %swap3A_283 = arith.constant 0 : index
        %swap3A_284 = tpu.vector_load %arg16[%swap3A_281, %swap3A_282, %swap3A_283] {strides = array<i32>} : memref<1x77x64xf32, #tpu.memory_space<vmem>>, vector<1x1x16xf32>,
        %swap3A_285 = vector.shape_cast %swap3A_284 : vector<1x1x16xf32> to vector<16xf32>
        %swap3A_286 = vector.shape_cast %add3A_280 : vector<16xf32> to vector<1x1x16xf32>
        tpu.vector_store %arg16[%swap3A_281, %swap3A_282, %swap3A_283], %swap3A_286 {strides = array<i32>} : memref<1x77x64xf32, #tpu.memory_space<vmem>>, vector<1x1x16xf32>,
        %get3A_287 = arith.index_cast %scan3A_270 : i32 to index
        %get3A_288 = arith.constant 16 : index
        %get3A_289 = tpu.vector_load %arg6[%get3A_287, %get3A_288] {strides = array<i32>} : memref<77x64xf32, #tpu.memory_space<vmem>>, vector<1x16xf32>,
        %get3A_290 = vector.shape_cast %get3A_289 : vector<1x16xf32> to vector<16xf32>
        %get3A_291 = arith.constant 0 : i32
        %get3A_292 = arith.index_cast %get3A_291 : i32 to index
        %get3A_293 = arith.index_cast %scan3A_270 : i32 to index
        %get3A_294 = arith.constant 16 : index
        %get3A_295 = tpu.vector_load %arg12[%get3A_292, %get3A_293, %get3A_294] {strides = array<i32>} : memref<1x77x128xf32, #tpu.memory_space<vmem>>, vector<1x1x16xf32>,
        %get3A_296 = vector.shape_cast %get3A_295 : vector<1x1x16xf32> to vector<16xf32>
        %add3A_297 = arith.addf %get3A_296, %get3A_290 : vector<16xf32>
        %swap3A_298 = arith.constant 0 : i32
        %swap3A_299 = arith.index_cast %swap3A_298 : i32 to index
        %swap3A_300 = arith.index_cast %scan3A_270 : i32 to index
        %swap3A_301 = arith.constant 16 : index
        %swap3A_302 = tpu.vector_load %arg16[%swap3A_299, %swap3A_300, %swap3A_301] {strides = array<i32>} : memref<1x77x64xf32, #tpu.memory_space<vmem>>, vector<1x1x16xf32>,
        %swap3A_303 = vector.shape_cast %swap3A_302 : vector<1x1x16xf32> to vector<16xf32>
        %swap3A_304 = vector.shape_cast %add3A_297 : vector<16xf32> to vector<1x1x16xf32>
        tpu.vector_store %arg16[%swap3A_299, %swap3A_300, %swap3A_301], %swap3A_304 {strides = array<i32>} : memref<1x77x64xf32, #tpu.memory_space<vmem>>, vector<1x1x16xf32>,
        %get3A_305 = arith.index_cast %scan3A_270 : i32 to index
        %get3A_306 = arith.constant 32 : index
        %get3A_307 = tpu.vector_load %arg6[%get3A_305, %get3A_306] {strides = array<i32>} : memref<77x64xf32, #tpu.memory_space<vmem>>, vector<1x16xf32>,
        %get3A_308 = vector.shape_cast %get3A_307 : vector<1x16xf32> to vector<16xf32>
        %get3A_309 = arith.constant 0 : i32
        %get3A_310 = arith.index_cast %get3A_309 : i32 to index
        %get3A_311 = arith.index_cast %scan3A_270 : i32 to index
        %get3A_312 = arith.constant 32 : index
        %get3A_313 = tpu.vector_load %arg12[%get3A_310, %get3A_311, %get3A_312] {strides = array<i32>} : memref<1x77x128xf32, #tpu.memory_space<vmem>>, vector<1x1x16xf32>,
        %get3A_314 = vector.shape_cast %get3A_313 : vector<1x1x16xf32> to vector<16xf32>
        %add3A_315 = arith.addf %get3A_314, %get3A_308 : vector<16xf32>
        %swap3A_316 = arith.constant 0 : i32
        %swap3A_317 = arith.index_cast %swap3A_316 : i32 to index
        %swap3A_318 = arith.index_cast %scan3A_270 : i32 to index
        %swap3A_319 = arith.constant 32 : index
        %swap3A_320 = tpu.vector_load %arg16[%swap3A_317, %swap3A_318, %swap3A_319] {strides = array<i32>} : memref<1x77x64xf32, #tpu.memory_space<vmem>>, vector<1x1x16xf32>,
        %swap3A_321 = vector.shape_cast %swap3A_320 : vector<1x1x16xf32> to vector<16xf32>
        %swap3A_322 = vector.shape_cast %add3A_315 : vector<16xf32> to vector<1x1x16xf32>
        tpu.vector_store %arg16[%swap3A_317, %swap3A_318, %swap3A_319], %swap3A_322 {strides = array<i32>} : memref<1x77x64xf32, #tpu.memory_space<vmem>>, vector<1x1x16xf32>,
        %get3A_323 = arith.index_cast %scan3A_270 : i32 to index
        %get3A_324 = arith.constant 48 : index
        %get3A_325 = tpu.vector_load %arg6[%get3A_323, %get3A_324] {strides = array<i32>} : memref<77x64xf32, #tpu.memory_space<vmem>>, vector<1x16xf32>,
        %get3A_326 = vector.shape_cast %get3A_325 : vector<1x16xf32> to vector<16xf32>
        %get3A_327 = arith.constant 0 : i32
        %get3A_328 = arith.index_cast %get3A_327 : i32 to index
        %get3A_329 = arith.index_cast %scan3A_270 : i32 to index
        %get3A_330 = arith.constant 48 : index
        %get3A_331 = tpu.vector_load %arg12[%get3A_328, %get3A_329, %get3A_330] {strides = array<i32>} : memref<1x77x128xf32, #tpu.memory_space<vmem>>, vector<1x1x16xf32>,
        %get3A_332 = vector.shape_cast %get3A_331 : vector<1x1x16xf32> to vector<16xf32>
        %add3A_333 = arith.addf %get3A_332, %get3A_326 : vector<16xf32>
        %swap3A_334 = arith.constant 0 : i32
        %swap3A_335 = arith.index_cast %swap3A_334 : i32 to index
        %swap3A_336 = arith.index_cast %scan3A_270 : i32 to index
        %swap3A_337 = arith.constant 48 : index
        %swap3A_338 = tpu.vector_load %arg16[%swap3A_335, %swap3A_336, %swap3A_337] {strides = array<i32>} : memref<1x77x64xf32, #tpu.memory_space<vmem>>, vector<1x1x16xf32>,
        %swap3A_339 = vector.shape_cast %swap3A_338 : vector<1x1x16xf32> to vector<16xf32>
        %swap3A_340 = vector.shape_cast %add3A_333 : vector<16xf32> to vector<1x1x16xf32>
        tpu.vector_store %arg16[%swap3A_335, %swap3A_336, %swap3A_337], %swap3A_340 {strides = array<i32>} : memref<1x77x64xf32, #tpu.memory_space<vmem>>, vector<1x1x16xf32>,
      }
      %scan3A_156 = arith.constant 77 : i32
      %mul3A_157 = arith.constant 1 : i32
      %mul3A_158 = arith.muli %add3A_138, %mul3A_157 : i32
      %add3A_159 = arith.addi %mul3A_2, %mul3A_158 : i32
      %dma_start3A_160 = arith.constant 0 : i32
      %dma_start3A_161 = arith.constant 0 : i32
      %dma_start3A_162 = tpu.memref_slice %arg5[%add3A_159, %dma_start3A_160, %dma_start3A_161] : memref<16384x77x64xf32, #tpu.memory_space<hbm>> -> memref<1x77x64xf32, #tpu.memory_space<hbm>>
      %dma_start3A_163 = arith.constant 0 : i32
      %dma_start3A_164 = arith.constant 0 : i32
      %dma_start3A_165 = tpu.memref_slice %arg5[%add3A_159, %dma_start3A_163, %dma_start3A_164] : memref<16384x77x64xf32, #tpu.memory_space<hbm>> -> memref<1x77x64xf32, #tpu.memory_space<hbm>>
      tpu.enqueue_dma source(%arg16 : memref<1x77x64xf32, #tpu.memory_space<vmem>>) target(%dma_start3A_165 : memref<1x77x64xf32, #tpu.memory_space<hbm>>) target_semaphore(%arg28 : memref<!tpu.dma_semaphore, #tpu.memory_space<semaphore_mem>>)
      %add3A_166 = arith.constant 2 : i32
      %add3A_167 = arith.addi %add3A_138, %add3A_166 : i32
      %lt3A_168 = arith.constant 512 : i32
      %lt3A_169 = arith.cmpi slt, %add3A_167, %lt3A_168 : i32
      %convert_element_type3A_170 = arith.extui %lt3A_169 : i1 to i32
      %cond3A_171 = arith.constant 0 : i32
      %cond3A_172 = arith.cmpi ne, %convert_element_type3A_170, %cond3A_171 : i32
      scf.if %cond3A_172 {
        %ge3A = arith.constant 2 : i32
        %ge3A_270 = arith.cmpi sge, %add3A_138, %ge3A : i32
        %convert_element_type3A_271 = arith.extui %ge3A_270 : i1 to i32
        %cond3A_272 = arith.constant 0 : i32
        %cond3A_273 = arith.cmpi ne, %convert_element_type3A_271, %cond3A_272 : i32
        scf.if %cond3A_273 {
          %sub3A = arith.constant 2 : i32
          %sub3A_295 = arith.subi %add3A_138, %sub3A : i32
          %mul3A_296 = arith.constant 1 : i32
          %mul3A_297 = arith.muli %sub3A_295, %mul3A_296 : i32
          %add3A_298 = arith.addi %mul3A_2, %mul3A_297 : i32
          %dma_wait3A_299 = arith.constant 0 : i32
          %dma_wait3A_300 = arith.constant 0 : i32
          %dma_wait3A_301 = tpu.memref_slice %arg5[%add3A_298, %dma_wait3A_299, %dma_wait3A_300] : memref<16384x77x64xf32, #tpu.memory_space<hbm>> -> memref<1x77x64xf32, #tpu.memory_space<hbm>>
          %dma_wait3A_302 = arith.constant 0 : i32
          %dma_wait3A_303 = arith.constant 0 : i32
          %dma_wait3A_304 = tpu.memref_slice %arg5[%add3A_298, %dma_wait3A_302, %dma_wait3A_303] : memref<16384x77x64xf32, #tpu.memory_space<hbm>> -> memref<1x77x64xf32, #tpu.memory_space<hbm>>
          tpu.wait_dma2 semaphore(%arg30 : memref<!tpu.dma_semaphore, #tpu.memory_space<semaphore_mem>>) src(%arg18 : memref<1x77x64xf32, #tpu.memory_space<vmem>>) dst(%dma_wait3A_304 : memref<1x77x64xf32, #tpu.memory_space<hbm>>)
        } else {
        }
        %add3A_274 = arith.constant 2 : i32
        %add3A_275 = arith.addi %add3A_138, %add3A_274 : i32
        %mul3A_276 = arith.constant 1 : i32
        %mul3A_277 = arith.muli %add3A_275, %mul3A_276 : i32
        %add3A_278 = arith.addi %mul3A_2, %mul3A_277 : i32
        %dma_wait3A_279 = arith.constant 0 : i32
        %dma_wait3A_280 = tpu.memref_slice %arg2[%add3A_278, %dma_wait3A_279] : memref<16384x77xi32, #tpu.memory_space<hbm>> -> memref<1x77xi32, #tpu.memory_space<hbm>>
        %dma_wait3A_281 = arith.constant 0 : i32
        %dma_wait3A_282 = tpu.memref_slice %arg2[%add3A_278, %dma_wait3A_281] : memref<16384x77xi32, #tpu.memory_space<hbm>> -> memref<1x77xi32, #tpu.memory_space<hbm>>
        tpu.wait_dma2 semaphore(%arg22 : memref<!tpu.dma_semaphore, #tpu.memory_space<semaphore_mem>>) src(%dma_wait3A_282 : memref<1x77xi32, #tpu.memory_space<hbm>>) dst(%arg10 : memref<1x77xi32, #tpu.memory_space<vmem>>)
        %dma_start3A_283 = arith.constant 0 : i32
        %dma_start3A_284 = arith.constant 0 : i32
        %dma_start3A_285 = arith.constant 0 : i32
        %dma_start3A_286 = arith.constant 0 : i32
        %dma_start3A_287 = tpu.memref_slice %arg14[%dma_start3A_284, %dma_start3A_285, %dma_start3A_286] : memref<1x77x128xf32, #tpu.memory_space<vmem>> -> memref<1x77x128xf32, #tpu.memory_space<vmem>>
        %dma_start3A_288 = tpu.memref_squeeze %dma_start3A_287 : memref<1x77x128xf32, #tpu.memory_space<vmem>> -> memref<77x128xf32, #tpu.memory_space<vmem>>
        %dma_start3A_289 = arith.constant 0 : i32
        %dma_start3A_290 = tpu.memref_slice %arg10[%dma_start3A_283, %dma_start3A_289] : memref<1x77xi32, #tpu.memory_space<vmem>> -> memref<1x77xi32, #tpu.memory_space<vmem>>
        %dma_start3A_291 = tpu.memref_squeeze %dma_start3A_290 : memref<1x77xi32, #tpu.memory_space<vmem>> -> memref<77xi32, #tpu.memory_space<vmem>>
        %dma_start3A_292 = arith.constant 0 : i32
        %dma_start3A_293 = arith.constant 0 : i32
        %dma_start3A_294 = tpu.memref_slice %arg3[%dma_start3A_292, %dma_start3A_293] : memref<100000x128xf32, #tpu.memory_space<hbm>> -> memref<100000x128xf32, #tpu.memory_space<hbm>>
        tpu.enqueue_indirect_dma source(%dma_start3A_294 : memref<100000x128xf32, #tpu.memory_space<hbm>>) target(%dma_start3A_288 : memref<77x128xf32, #tpu.memory_space<vmem>>) offsets(%dma_start3A_291 : memref<77xi32, #tpu.memory_space<vmem>>) semaphore(%arg26 : memref<!tpu.dma_semaphore, #tpu.memory_space<semaphore_mem>>)
      } else {
      }
      %add3A_173 = arith.constant 3 : i32
      %add3A_174 = arith.addi %add3A_138, %add3A_173 : i32
      %lt3A_175 = arith.constant 512 : i32
      %lt3A_176 = arith.cmpi slt, %add3A_174, %lt3A_175 : i32
      %convert_element_type3A_177 = arith.extui %lt3A_176 : i1 to i32
      %cond3A_178 = arith.constant 0 : i32
      %cond3A_179 = arith.cmpi ne, %convert_element_type3A_177, %cond3A_178 : i32
      scf.if %cond3A_179 {
        %add3A_270 = arith.constant 3 : i32
        %add3A_271 = arith.addi %add3A_138, %add3A_270 : i32
        %mul3A_272 = arith.constant 1 : i32
        %mul3A_273 = arith.muli %add3A_271, %mul3A_272 : i32
        %add3A_274 = arith.addi %mul3A_2, %mul3A_273 : i32
        %dma_start3A_275 = arith.constant 0 : i32
        %dma_start3A_276 = tpu.memref_slice %arg2[%add3A_274, %dma_start3A_275] : memref<16384x77xi32, #tpu.memory_space<hbm>> -> memref<1x77xi32, #tpu.memory_space<hbm>>
        %dma_start3A_277 = arith.constant 0 : i32
        %dma_start3A_278 = tpu.memref_slice %arg2[%add3A_274, %dma_start3A_277] : memref<16384x77xi32, #tpu.memory_space<hbm>> -> memref<1x77xi32, #tpu.memory_space<hbm>>
        tpu.enqueue_dma source(%dma_start3A_278 : memref<1x77xi32, #tpu.memory_space<hbm>>) target(%arg7 : memref<1x77xi32, #tpu.memory_space<vmem>>) target_semaphore(%arg19 : memref<!tpu.dma_semaphore, #tpu.memory_space<semaphore_mem>>)
      } else {
      }
      %mul3A_180 = arith.constant 4 : i32
      %mul3A_181 = arith.muli %scan3A_92, %mul3A_180 : i32
      %add3A_182 = arith.constant 2 : i32
      %add3A_183 = arith.addi %mul3A_181, %add3A_182 : i32
      %dma_wait3A_184 = arith.constant 0 : i32
      %dma_wait3A_185 = arith.constant 0 : i32
      %dma_wait3A_186 = arith.constant 0 : i32
      %dma_wait3A_187 = arith.constant 0 : i32
      %dma_wait3A_188 = tpu.memref_slice %arg13[%dma_wait3A_185, %dma_wait3A_186, %dma_wait3A_187] : memref<1x77x128xf32, #tpu.memory_space<vmem>> -> memref<1x77x128xf32, #tpu.memory_space<vmem>>
      %dma_wait3A_189 = tpu.memref_squeeze %dma_wait3A_188 : memref<1x77x128xf32, #tpu.memory_space<vmem>> -> memref<77x128xf32, #tpu.memory_space<vmem>>
      %dma_wait3A_190 = arith.constant 0 : i32
      %dma_wait3A_191 = tpu.memref_slice %arg9[%dma_wait3A_184, %dma_wait3A_190] : memref<1x77xi32, #tpu.memory_space<vmem>> -> memref<1x77xi32, #tpu.memory_space<vmem>>
      %dma_wait3A_192 = tpu.memref_squeeze %dma_wait3A_191 : memref<1x77xi32, #tpu.memory_space<vmem>> -> memref<77xi32, #tpu.memory_space<vmem>>
      %dma_wait3A_193 = arith.constant 0 : i32
      %dma_wait3A_194 = arith.constant 0 : i32
      %dma_wait3A_195 = tpu.memref_slice %arg3[%dma_wait3A_193, %dma_wait3A_194] : memref<100000x128xf32, #tpu.memory_space<hbm>> -> memref<100000x128xf32, #tpu.memory_space<hbm>>
      tpu.wait_indirect_dma semaphore(%arg25 : memref<!tpu.dma_semaphore, #tpu.memory_space<semaphore_mem>>) src(%dma_wait3A_195 : memref<100000x128xf32, #tpu.memory_space<hbm>>) dst(%dma_wait3A_189 : memref<77x128xf32, #tpu.memory_space<vmem>>)
      %scan3A_196 = arith.constant 0 : i32
      %scan3A_197 = arith.constant 0 : i32
      %scan3A_198 = arith.constant 77 : i32
      %scan3A_199 = arith.addi %scan3A_197, %scan3A_198 : i32
      %scan3A_200 = arith.constant 1 : i32
      scf.for %scan3A_270 = %scan3A_197 to %scan3A_199 step %scan3A_200  : i32 {
        %get3A = arith.index_cast %scan3A_270 : i32 to index
        %get3A_271 = arith.constant 0 : index
        %get3A_272 = tpu.vector_load %arg6[%get3A, %get3A_271] {strides = array<i32>} : memref<77x64xf32, #tpu.memory_space<vmem>>, vector<1x16xf32>,
        %get3A_273 = vector.shape_cast %get3A_272 : vector<1x16xf32> to vector<16xf32>
        %get3A_274 = arith.constant 0 : i32
        %get3A_275 = arith.index_cast %get3A_274 : i32 to index
        %get3A_276 = arith.index_cast %scan3A_270 : i32 to index
        %get3A_277 = arith.constant 0 : index
        %get3A_278 = tpu.vector_load %arg13[%get3A_275, %get3A_276, %get3A_277] {strides = array<i32>} : memref<1x77x128xf32, #tpu.memory_space<vmem>>, vector<1x1x16xf32>,
        %get3A_279 = vector.shape_cast %get3A_278 : vector<1x1x16xf32> to vector<16xf32>
        %add3A_280 = arith.addf %get3A_279, %get3A_273 : vector<16xf32>
        %swap3A = arith.constant 0 : i32
        %swap3A_281 = arith.index_cast %swap3A : i32 to index
        %swap3A_282 = arith.index_cast %scan3A_270 : i32 to index
        %swap3A_283 = arith.constant 0 : index
        %swap3A_284 = tpu.vector_load %arg17[%swap3A_281, %swap3A_282, %swap3A_283] {strides = array<i32>} : memref<1x77x64xf32, #tpu.memory_space<vmem>>, vector<1x1x16xf32>,
        %swap3A_285 = vector.shape_cast %swap3A_284 : vector<1x1x16xf32> to vector<16xf32>
        %swap3A_286 = vector.shape_cast %add3A_280 : vector<16xf32> to vector<1x1x16xf32>
        tpu.vector_store %arg17[%swap3A_281, %swap3A_282, %swap3A_283], %swap3A_286 {strides = array<i32>} : memref<1x77x64xf32, #tpu.memory_space<vmem>>, vector<1x1x16xf32>,
        %get3A_287 = arith.index_cast %scan3A_270 : i32 to index
        %get3A_288 = arith.constant 16 : index
        %get3A_289 = tpu.vector_load %arg6[%get3A_287, %get3A_288] {strides = array<i32>} : memref<77x64xf32, #tpu.memory_space<vmem>>, vector<1x16xf32>,
        %get3A_290 = vector.shape_cast %get3A_289 : vector<1x16xf32> to vector<16xf32>
        %get3A_291 = arith.constant 0 : i32
        %get3A_292 = arith.index_cast %get3A_291 : i32 to index
        %get3A_293 = arith.index_cast %scan3A_270 : i32 to index
        %get3A_294 = arith.constant 16 : index
        %get3A_295 = tpu.vector_load %arg13[%get3A_292, %get3A_293, %get3A_294] {strides = array<i32>} : memref<1x77x128xf32, #tpu.memory_space<vmem>>, vector<1x1x16xf32>,
        %get3A_296 = vector.shape_cast %get3A_295 : vector<1x1x16xf32> to vector<16xf32>
        %add3A_297 = arith.addf %get3A_296, %get3A_290 : vector<16xf32>
        %swap3A_298 = arith.constant 0 : i32
        %swap3A_299 = arith.index_cast %swap3A_298 : i32 to index
        %swap3A_300 = arith.index_cast %scan3A_270 : i32 to index
        %swap3A_301 = arith.constant 16 : index
        %swap3A_302 = tpu.vector_load %arg17[%swap3A_299, %swap3A_300, %swap3A_301] {strides = array<i32>} : memref<1x77x64xf32, #tpu.memory_space<vmem>>, vector<1x1x16xf32>,
        %swap3A_303 = vector.shape_cast %swap3A_302 : vector<1x1x16xf32> to vector<16xf32>
        %swap3A_304 = vector.shape_cast %add3A_297 : vector<16xf32> to vector<1x1x16xf32>
        tpu.vector_store %arg17[%swap3A_299, %swap3A_300, %swap3A_301], %swap3A_304 {strides = array<i32>} : memref<1x77x64xf32, #tpu.memory_space<vmem>>, vector<1x1x16xf32>,
        %get3A_305 = arith.index_cast %scan3A_270 : i32 to index
        %get3A_306 = arith.constant 32 : index
        %get3A_307 = tpu.vector_load %arg6[%get3A_305, %get3A_306] {strides = array<i32>} : memref<77x64xf32, #tpu.memory_space<vmem>>, vector<1x16xf32>,
        %get3A_308 = vector.shape_cast %get3A_307 : vector<1x16xf32> to vector<16xf32>
        %get3A_309 = arith.constant 0 : i32
        %get3A_310 = arith.index_cast %get3A_309 : i32 to index
        %get3A_311 = arith.index_cast %scan3A_270 : i32 to index
        %get3A_312 = arith.constant 32 : index
        %get3A_313 = tpu.vector_load %arg13[%get3A_310, %get3A_311, %get3A_312] {strides = array<i32>} : memref<1x77x128xf32, #tpu.memory_space<vmem>>, vector<1x1x16xf32>,
        %get3A_314 = vector.shape_cast %get3A_313 : vector<1x1x16xf32> to vector<16xf32>
        %add3A_315 = arith.addf %get3A_314, %get3A_308 : vector<16xf32>
        %swap3A_316 = arith.constant 0 : i32
        %swap3A_317 = arith.index_cast %swap3A_316 : i32 to index
        %swap3A_318 = arith.index_cast %scan3A_270 : i32 to index
        %swap3A_319 = arith.constant 32 : index
        %swap3A_320 = tpu.vector_load %arg17[%swap3A_317, %swap3A_318, %swap3A_319] {strides = array<i32>} : memref<1x77x64xf32, #tpu.memory_space<vmem>>, vector<1x1x16xf32>,
        %swap3A_321 = vector.shape_cast %swap3A_320 : vector<1x1x16xf32> to vector<16xf32>
        %swap3A_322 = vector.shape_cast %add3A_315 : vector<16xf32> to vector<1x1x16xf32>
        tpu.vector_store %arg17[%swap3A_317, %swap3A_318, %swap3A_319], %swap3A_322 {strides = array<i32>} : memref<1x77x64xf32, #tpu.memory_space<vmem>>, vector<1x1x16xf32>,
        %get3A_323 = arith.index_cast %scan3A_270 : i32 to index
        %get3A_324 = arith.constant 48 : index
        %get3A_325 = tpu.vector_load %arg6[%get3A_323, %get3A_324] {strides = array<i32>} : memref<77x64xf32, #tpu.memory_space<vmem>>, vector<1x16xf32>,
        %get3A_326 = vector.shape_cast %get3A_325 : vector<1x16xf32> to vector<16xf32>
        %get3A_327 = arith.constant 0 : i32
        %get3A_328 = arith.index_cast %get3A_327 : i32 to index
        %get3A_329 = arith.index_cast %scan3A_270 : i32 to index
        %get3A_330 = arith.constant 48 : index
        %get3A_331 = tpu.vector_load %arg13[%get3A_328, %get3A_329, %get3A_330] {strides = array<i32>} : memref<1x77x128xf32, #tpu.memory_space<vmem>>, vector<1x1x16xf32>,
        %get3A_332 = vector.shape_cast %get3A_331 : vector<1x1x16xf32> to vector<16xf32>
        %add3A_333 = arith.addf %get3A_332, %get3A_326 : vector<16xf32>
        %swap3A_334 = arith.constant 0 : i32
        %swap3A_335 = arith.index_cast %swap3A_334 : i32 to index
        %swap3A_336 = arith.index_cast %scan3A_270 : i32 to index
        %swap3A_337 = arith.constant 48 : index
        %swap3A_338 = tpu.vector_load %arg17[%swap3A_335, %swap3A_336, %swap3A_337] {strides = array<i32>} : memref<1x77x64xf32, #tpu.memory_space<vmem>>, vector<1x1x16xf32>,
        %swap3A_339 = vector.shape_cast %swap3A_338 : vector<1x1x16xf32> to vector<16xf32>
        %swap3A_340 = vector.shape_cast %add3A_333 : vector<16xf32> to vector<1x1x16xf32>
        tpu.vector_store %arg17[%swap3A_335, %swap3A_336, %swap3A_337], %swap3A_340 {strides = array<i32>} : memref<1x77x64xf32, #tpu.memory_space<vmem>>, vector<1x1x16xf32>,
      }
      %scan3A_201 = arith.constant 77 : i32
      %mul3A_202 = arith.constant 1 : i32
      %mul3A_203 = arith.muli %add3A_183, %mul3A_202 : i32
      %add3A_204 = arith.addi %mul3A_2, %mul3A_203 : i32
      %dma_start3A_205 = arith.constant 0 : i32
      %dma_start3A_206 = arith.constant 0 : i32
      %dma_start3A_207 = tpu.memref_slice %arg5[%add3A_204, %dma_start3A_205, %dma_start3A_206] : memref<16384x77x64xf32, #tpu.memory_space<hbm>> -> memref<1x77x64xf32, #tpu.memory_space<hbm>>
      %dma_start3A_208 = arith.constant 0 : i32
      %dma_start3A_209 = arith.constant 0 : i32
      %dma_start3A_210 = tpu.memref_slice %arg5[%add3A_204, %dma_start3A_208, %dma_start3A_209] : memref<16384x77x64xf32, #tpu.memory_space<hbm>> -> memref<1x77x64xf32, #tpu.memory_space<hbm>>
      tpu.enqueue_dma source(%arg17 : memref<1x77x64xf32, #tpu.memory_space<vmem>>) target(%dma_start3A_210 : memref<1x77x64xf32, #tpu.memory_space<hbm>>) target_semaphore(%arg29 : memref<!tpu.dma_semaphore, #tpu.memory_space<semaphore_mem>>)
      %add3A_211 = arith.constant 2 : i32
      %add3A_212 = arith.addi %add3A_183, %add3A_211 : i32
      %lt3A_213 = arith.constant 512 : i32
      %lt3A_214 = arith.cmpi slt, %add3A_212, %lt3A_213 : i32
      %convert_element_type3A_215 = arith.extui %lt3A_214 : i1 to i32
      %cond3A_216 = arith.constant 0 : i32
      %cond3A_217 = arith.cmpi ne, %convert_element_type3A_215, %cond3A_216 : i32
      scf.if %cond3A_217 {
        %ge3A = arith.constant 2 : i32
        %ge3A_270 = arith.cmpi sge, %add3A_183, %ge3A : i32
        %convert_element_type3A_271 = arith.extui %ge3A_270 : i1 to i32
        %cond3A_272 = arith.constant 0 : i32
        %cond3A_273 = arith.cmpi ne, %convert_element_type3A_271, %cond3A_272 : i32
        scf.if %cond3A_273 {
          %sub3A = arith.constant 2 : i32
          %sub3A_295 = arith.subi %add3A_183, %sub3A : i32
          %mul3A_296 = arith.constant 1 : i32
          %mul3A_297 = arith.muli %sub3A_295, %mul3A_296 : i32
          %add3A_298 = arith.addi %mul3A_2, %mul3A_297 : i32
          %dma_wait3A_299 = arith.constant 0 : i32
          %dma_wait3A_300 = arith.constant 0 : i32
          %dma_wait3A_301 = tpu.memref_slice %arg5[%add3A_298, %dma_wait3A_299, %dma_wait3A_300] : memref<16384x77x64xf32, #tpu.memory_space<hbm>> -> memref<1x77x64xf32, #tpu.memory_space<hbm>>
          %dma_wait3A_302 = arith.constant 0 : i32
          %dma_wait3A_303 = arith.constant 0 : i32
          %dma_wait3A_304 = tpu.memref_slice %arg5[%add3A_298, %dma_wait3A_302, %dma_wait3A_303] : memref<16384x77x64xf32, #tpu.memory_space<hbm>> -> memref<1x77x64xf32, #tpu.memory_space<hbm>>
          tpu.wait_dma2 semaphore(%arg27 : memref<!tpu.dma_semaphore, #tpu.memory_space<semaphore_mem>>) src(%arg15 : memref<1x77x64xf32, #tpu.memory_space<vmem>>) dst(%dma_wait3A_304 : memref<1x77x64xf32, #tpu.memory_space<hbm>>)
        } else {
        }
        %add3A_274 = arith.constant 2 : i32
        %add3A_275 = arith.addi %add3A_183, %add3A_274 : i32
        %mul3A_276 = arith.constant 1 : i32
        %mul3A_277 = arith.muli %add3A_275, %mul3A_276 : i32
        %add3A_278 = arith.addi %mul3A_2, %mul3A_277 : i32
        %dma_wait3A_279 = arith.constant 0 : i32
        %dma_wait3A_280 = tpu.memref_slice %arg2[%add3A_278, %dma_wait3A_279] : memref<16384x77xi32, #tpu.memory_space<hbm>> -> memref<1x77xi32, #tpu.memory_space<hbm>>
        %dma_wait3A_281 = arith.constant 0 : i32
        %dma_wait3A_282 = tpu.memref_slice %arg2[%add3A_278, %dma_wait3A_281] : memref<16384x77xi32, #tpu.memory_space<hbm>> -> memref<1x77xi32, #tpu.memory_space<hbm>>
        tpu.wait_dma2 semaphore(%arg19 : memref<!tpu.dma_semaphore, #tpu.memory_space<semaphore_mem>>) src(%dma_wait3A_282 : memref<1x77xi32, #tpu.memory_space<hbm>>) dst(%arg7 : memref<1x77xi32, #tpu.memory_space<vmem>>)
        %dma_start3A_283 = arith.constant 0 : i32
        %dma_start3A_284 = arith.constant 0 : i32
        %dma_start3A_285 = arith.constant 0 : i32
        %dma_start3A_286 = arith.constant 0 : i32
        %dma_start3A_287 = tpu.memref_slice %arg11[%dma_start3A_284, %dma_start3A_285, %dma_start3A_286] : memref<1x77x128xf32, #tpu.memory_space<vmem>> -> memref<1x77x128xf32, #tpu.memory_space<vmem>>
        %dma_start3A_288 = tpu.memref_squeeze %dma_start3A_287 : memref<1x77x128xf32, #tpu.memory_space<vmem>> -> memref<77x128xf32, #tpu.memory_space<vmem>>
        %dma_start3A_289 = arith.constant 0 : i32
        %dma_start3A_290 = tpu.memref_slice %arg7[%dma_start3A_283, %dma_start3A_289] : memref<1x77xi32, #tpu.memory_space<vmem>> -> memref<1x77xi32, #tpu.memory_space<vmem>>
        %dma_start3A_291 = tpu.memref_squeeze %dma_start3A_290 : memref<1x77xi32, #tpu.memory_space<vmem>> -> memref<77xi32, #tpu.memory_space<vmem>>
        %dma_start3A_292 = arith.constant 0 : i32
        %dma_start3A_293 = arith.constant 0 : i32
        %dma_start3A_294 = tpu.memref_slice %arg3[%dma_start3A_292, %dma_start3A_293] : memref<100000x128xf32, #tpu.memory_space<hbm>> -> memref<100000x128xf32, #tpu.memory_space<hbm>>
        tpu.enqueue_indirect_dma source(%dma_start3A_294 : memref<100000x128xf32, #tpu.memory_space<hbm>>) target(%dma_start3A_288 : memref<77x128xf32, #tpu.memory_space<vmem>>) offsets(%dma_start3A_291 : memref<77xi32, #tpu.memory_space<vmem>>) semaphore(%arg23 : memref<!tpu.dma_semaphore, #tpu.memory_space<semaphore_mem>>)
      } else {
      }
      %add3A_218 = arith.constant 3 : i32
      %add3A_219 = arith.addi %add3A_183, %add3A_218 : i32
      %lt3A_220 = arith.constant 512 : i32
      %lt3A_221 = arith.cmpi slt, %add3A_219, %lt3A_220 : i32
      %convert_element_type3A_222 = arith.extui %lt3A_221 : i1 to i32
      %cond3A_223 = arith.constant 0 : i32
      %cond3A_224 = arith.cmpi ne, %convert_element_type3A_222, %cond3A_223 : i32
      scf.if %cond3A_224 {
        %add3A_270 = arith.constant 3 : i32
        %add3A_271 = arith.addi %add3A_183, %add3A_270 : i32
        %mul3A_272 = arith.constant 1 : i32
        %mul3A_273 = arith.muli %add3A_271, %mul3A_272 : i32
        %add3A_274 = arith.addi %mul3A_2, %mul3A_273 : i32
        %dma_start3A_275 = arith.constant 0 : i32
        %dma_start3A_276 = tpu.memref_slice %arg2[%add3A_274, %dma_start3A_275] : memref<16384x77xi32, #tpu.memory_space<hbm>> -> memref<1x77xi32, #tpu.memory_space<hbm>>
        %dma_start3A_277 = arith.constant 0 : i32
        %dma_start3A_278 = tpu.memref_slice %arg2[%add3A_274, %dma_start3A_277] : memref<16384x77xi32, #tpu.memory_space<hbm>> -> memref<1x77xi32, #tpu.memory_space<hbm>>
        tpu.enqueue_dma source(%dma_start3A_278 : memref<1x77xi32, #tpu.memory_space<hbm>>) target(%arg8 : memref<1x77xi32, #tpu.memory_space<vmem>>) target_semaphore(%arg20 : memref<!tpu.dma_semaphore, #tpu.memory_space<semaphore_mem>>)
      } else {
      }
      %mul3A_225 = arith.constant 4 : i32
      %mul3A_226 = arith.muli %scan3A_92, %mul3A_225 : i32
      %add3A_227 = arith.constant 3 : i32
      %add3A_228 = arith.addi %mul3A_226, %add3A_227 : i32
      %dma_wait3A_229 = arith.constant 0 : i32
      %dma_wait3A_230 = arith.constant 0 : i32
      %dma_wait3A_231 = arith.constant 0 : i32
      %dma_wait3A_232 = arith.constant 0 : i32
      %dma_wait3A_233 = tpu.memref_slice %arg14[%dma_wait3A_230, %dma_wait3A_231, %dma_wait3A_232] : memref<1x77x128xf32, #tpu.memory_space<vmem>> -> memref<1x77x128xf32, #tpu.memory_space<vmem>>
      %dma_wait3A_234 = tpu.memref_squeeze %dma_wait3A_233 : memref<1x77x128xf32, #tpu.memory_space<vmem>> -> memref<77x128xf32, #tpu.memory_space<vmem>>
      %dma_wait3A_235 = arith.constant 0 : i32
      %dma_wait3A_236 = tpu.memref_slice %arg10[%dma_wait3A_229, %dma_wait3A_235] : memref<1x77xi32, #tpu.memory_space<vmem>> -> memref<1x77xi32, #tpu.memory_space<vmem>>
      %dma_wait3A_237 = tpu.memref_squeeze %dma_wait3A_236 : memref<1x77xi32, #tpu.memory_space<vmem>> -> memref<77xi32, #tpu.memory_space<vmem>>
      %dma_wait3A_238 = arith.constant 0 : i32
      %dma_wait3A_239 = arith.constant 0 : i32
      %dma_wait3A_240 = tpu.memref_slice %arg3[%dma_wait3A_238, %dma_wait3A_239] : memref<100000x128xf32, #tpu.memory_space<hbm>> -> memref<100000x128xf32, #tpu.memory_space<hbm>>
      tpu.wait_indirect_dma semaphore(%arg26 : memref<!tpu.dma_semaphore, #tpu.memory_space<semaphore_mem>>) src(%dma_wait3A_240 : memref<100000x128xf32, #tpu.memory_space<hbm>>) dst(%dma_wait3A_234 : memref<77x128xf32, #tpu.memory_space<vmem>>)
      %scan3A_241 = arith.constant 0 : i32
      %scan3A_242 = arith.constant 0 : i32
      %scan3A_243 = arith.constant 77 : i32
      %scan3A_244 = arith.addi %scan3A_242, %scan3A_243 : i32
      %scan3A_245 = arith.constant 1 : i32
      scf.for %scan3A_270 = %scan3A_242 to %scan3A_244 step %scan3A_245  : i32 {
        %get3A = arith.index_cast %scan3A_270 : i32 to index
        %get3A_271 = arith.constant 0 : index
        %get3A_272 = tpu.vector_load %arg6[%get3A, %get3A_271] {strides = array<i32>} : memref<77x64xf32, #tpu.memory_space<vmem>>, vector<1x16xf32>,
        %get3A_273 = vector.shape_cast %get3A_272 : vector<1x16xf32> to vector<16xf32>
        %get3A_274 = arith.constant 0 : i32
        %get3A_275 = arith.index_cast %get3A_274 : i32 to index
        %get3A_276 = arith.index_cast %scan3A_270 : i32 to index
        %get3A_277 = arith.constant 0 : index
        %get3A_278 = tpu.vector_load %arg14[%get3A_275, %get3A_276, %get3A_277] {strides = array<i32>} : memref<1x77x128xf32, #tpu.memory_space<vmem>>, vector<1x1x16xf32>,
        %get3A_279 = vector.shape_cast %get3A_278 : vector<1x1x16xf32> to vector<16xf32>
        %add3A_280 = arith.addf %get3A_279, %get3A_273 : vector<16xf32>
        %swap3A = arith.constant 0 : i32
        %swap3A_281 = arith.index_cast %swap3A : i32 to index
        %swap3A_282 = arith.index_cast %scan3A_270 : i32 to index
        %swap3A_283 = arith.constant 0 : index
        %swap3A_284 = tpu.vector_load %arg18[%swap3A_281, %swap3A_282, %swap3A_283] {strides = array<i32>} : memref<1x77x64xf32, #tpu.memory_space<vmem>>, vector<1x1x16xf32>,
        %swap3A_285 = vector.shape_cast %swap3A_284 : vector<1x1x16xf32> to vector<16xf32>
        %swap3A_286 = vector.shape_cast %add3A_280 : vector<16xf32> to vector<1x1x16xf32>
        tpu.vector_store %arg18[%swap3A_281, %swap3A_282, %swap3A_283], %swap3A_286 {strides = array<i32>} : memref<1x77x64xf32, #tpu.memory_space<vmem>>, vector<1x1x16xf32>,
        %get3A_287 = arith.index_cast %scan3A_270 : i32 to index
        %get3A_288 = arith.constant 16 : index
        %get3A_289 = tpu.vector_load %arg6[%get3A_287, %get3A_288] {strides = array<i32>} : memref<77x64xf32, #tpu.memory_space<vmem>>, vector<1x16xf32>,
        %get3A_290 = vector.shape_cast %get3A_289 : vector<1x16xf32> to vector<16xf32>
        %get3A_291 = arith.constant 0 : i32
        %get3A_292 = arith.index_cast %get3A_291 : i32 to index
        %get3A_293 = arith.index_cast %scan3A_270 : i32 to index
        %get3A_294 = arith.constant 16 : index
        %get3A_295 = tpu.vector_load %arg14[%get3A_292, %get3A_293, %get3A_294] {strides = array<i32>} : memref<1x77x128xf32, #tpu.memory_space<vmem>>, vector<1x1x16xf32>,
        %get3A_296 = vector.shape_cast %get3A_295 : vector<1x1x16xf32> to vector<16xf32>
        %add3A_297 = arith.addf %get3A_296, %get3A_290 : vector<16xf32>
        %swap3A_298 = arith.constant 0 : i32
        %swap3A_299 = arith.index_cast %swap3A_298 : i32 to index
        %swap3A_300 = arith.index_cast %scan3A_270 : i32 to index
        %swap3A_301 = arith.constant 16 : index
        %swap3A_302 = tpu.vector_load %arg18[%swap3A_299, %swap3A_300, %swap3A_301] {strides = array<i32>} : memref<1x77x64xf32, #tpu.memory_space<vmem>>, vector<1x1x16xf32>,
        %swap3A_303 = vector.shape_cast %swap3A_302 : vector<1x1x16xf32> to vector<16xf32>
        %swap3A_304 = vector.shape_cast %add3A_297 : vector<16xf32> to vector<1x1x16xf32>
        tpu.vector_store %arg18[%swap3A_299, %swap3A_300, %swap3A_301], %swap3A_304 {strides = array<i32>} : memref<1x77x64xf32, #tpu.memory_space<vmem>>, vector<1x1x16xf32>,
        %get3A_305 = arith.index_cast %scan3A_270 : i32 to index
        %get3A_306 = arith.constant 32 : index
        %get3A_307 = tpu.vector_load %arg6[%get3A_305, %get3A_306] {strides = array<i32>} : memref<77x64xf32, #tpu.memory_space<vmem>>, vector<1x16xf32>,
        %get3A_308 = vector.shape_cast %get3A_307 : vector<1x16xf32> to vector<16xf32>
        %get3A_309 = arith.constant 0 : i32
        %get3A_310 = arith.index_cast %get3A_309 : i32 to index
        %get3A_311 = arith.index_cast %scan3A_270 : i32 to index
        %get3A_312 = arith.constant 32 : index
        %get3A_313 = tpu.vector_load %arg14[%get3A_310, %get3A_311, %get3A_312] {strides = array<i32>} : memref<1x77x128xf32, #tpu.memory_space<vmem>>, vector<1x1x16xf32>,
        %get3A_314 = vector.shape_cast %get3A_313 : vector<1x1x16xf32> to vector<16xf32>
        %add3A_315 = arith.addf %get3A_314, %get3A_308 : vector<16xf32>
        %swap3A_316 = arith.constant 0 : i32
        %swap3A_317 = arith.index_cast %swap3A_316 : i32 to index
        %swap3A_318 = arith.index_cast %scan3A_270 : i32 to index
        %swap3A_319 = arith.constant 32 : index
        %swap3A_320 = tpu.vector_load %arg18[%swap3A_317, %swap3A_318, %swap3A_319] {strides = array<i32>} : memref<1x77x64xf32, #tpu.memory_space<vmem>>, vector<1x1x16xf32>,
        %swap3A_321 = vector.shape_cast %swap3A_320 : vector<1x1x16xf32> to vector<16xf32>
        %swap3A_322 = vector.shape_cast %add3A_315 : vector<16xf32> to vector<1x1x16xf32>
        tpu.vector_store %arg18[%swap3A_317, %swap3A_318, %swap3A_319], %swap3A_322 {strides = array<i32>} : memref<1x77x64xf32, #tpu.memory_space<vmem>>, vector<1x1x16xf32>,
        %get3A_323 = arith.index_cast %scan3A_270 : i32 to index
        %get3A_324 = arith.constant 48 : index
        %get3A_325 = tpu.vector_load %arg6[%get3A_323, %get3A_324] {strides = array<i32>} : memref<77x64xf32, #tpu.memory_space<vmem>>, vector<1x16xf32>,
        %get3A_326 = vector.shape_cast %get3A_325 : vector<1x16xf32> to vector<16xf32>
        %get3A_327 = arith.constant 0 : i32
        %get3A_328 = arith.index_cast %get3A_327 : i32 to index
        %get3A_329 = arith.index_cast %scan3A_270 : i32 to index
        %get3A_330 = arith.constant 48 : index
        %get3A_331 = tpu.vector_load %arg14[%get3A_328, %get3A_329, %get3A_330] {strides = array<i32>} : memref<1x77x128xf32, #tpu.memory_space<vmem>>, vector<1x1x16xf32>,
        %get3A_332 = vector.shape_cast %get3A_331 : vector<1x1x16xf32> to vector<16xf32>
        %add3A_333 = arith.addf %get3A_332, %get3A_326 : vector<16xf32>
        %swap3A_334 = arith.constant 0 : i32
        %swap3A_335 = arith.index_cast %swap3A_334 : i32 to index
        %swap3A_336 = arith.index_cast %scan3A_270 : i32 to index
        %swap3A_337 = arith.constant 48 : index
        %swap3A_338 = tpu.vector_load %arg18[%swap3A_335, %swap3A_336, %swap3A_337] {strides = array<i32>} : memref<1x77x64xf32, #tpu.memory_space<vmem>>, vector<1x1x16xf32>,
        %swap3A_339 = vector.shape_cast %swap3A_338 : vector<1x1x16xf32> to vector<16xf32>
        %swap3A_340 = vector.shape_cast %add3A_333 : vector<16xf32> to vector<1x1x16xf32>
        tpu.vector_store %arg18[%swap3A_335, %swap3A_336, %swap3A_337], %swap3A_340 {strides = array<i32>} : memref<1x77x64xf32, #tpu.memory_space<vmem>>, vector<1x1x16xf32>,
      }
      %scan3A_246 = arith.constant 77 : i32
      %mul3A_247 = arith.constant 1 : i32
      %mul3A_248 = arith.muli %add3A_228, %mul3A_247 : i32
      %add3A_249 = arith.addi %mul3A_2, %mul3A_248 : i32
      %dma_start3A_250 = arith.constant 0 : i32
      %dma_start3A_251 = arith.constant 0 : i32
      %dma_start3A_252 = tpu.memref_slice %arg5[%add3A_249, %dma_start3A_250, %dma_start3A_251] : memref<16384x77x64xf32, #tpu.memory_space<hbm>> -> memref<1x77x64xf32, #tpu.memory_space<hbm>>
      %dma_start3A_253 = arith.constant 0 : i32
      %dma_start3A_254 = arith.constant 0 : i32
      %dma_start3A_255 = tpu.memref_slice %arg5[%add3A_249, %dma_start3A_253, %dma_start3A_254] : memref<16384x77x64xf32, #tpu.memory_space<hbm>> -> memref<1x77x64xf32, #tpu.memory_space<hbm>>
      tpu.enqueue_dma source(%arg18 : memref<1x77x64xf32, #tpu.memory_space<vmem>>) target(%dma_start3A_255 : memref<1x77x64xf32, #tpu.memory_space<hbm>>) target_semaphore(%arg30 : memref<!tpu.dma_semaphore, #tpu.memory_space<semaphore_mem>>)
      %add3A_256 = arith.constant 2 : i32
      %add3A_257 = arith.addi %add3A_228, %add3A_256 : i32
      %lt3A_258 = arith.constant 512 : i32
      %lt3A_259 = arith.cmpi slt, %add3A_257, %lt3A_258 : i32
      %convert_element_type3A_260 = arith.extui %lt3A_259 : i1 to i32
      %cond3A_261 = arith.constant 0 : i32
      %cond3A_262 = arith.cmpi ne, %convert_element_type3A_260, %cond3A_261 : i32
      scf.if %cond3A_262 {
        %ge3A = arith.constant 2 : i32
        %ge3A_270 = arith.cmpi sge, %add3A_228, %ge3A : i32
        %convert_element_type3A_271 = arith.extui %ge3A_270 : i1 to i32
        %cond3A_272 = arith.constant 0 : i32
        %cond3A_273 = arith.cmpi ne, %convert_element_type3A_271, %cond3A_272 : i32
        scf.if %cond3A_273 {
          %sub3A = arith.constant 2 : i32
          %sub3A_295 = arith.subi %add3A_228, %sub3A : i32
          %mul3A_296 = arith.constant 1 : i32
          %mul3A_297 = arith.muli %sub3A_295, %mul3A_296 : i32
          %add3A_298 = arith.addi %mul3A_2, %mul3A_297 : i32
          %dma_wait3A_299 = arith.constant 0 : i32
          %dma_wait3A_300 = arith.constant 0 : i32
          %dma_wait3A_301 = tpu.memref_slice %arg5[%add3A_298, %dma_wait3A_299, %dma_wait3A_300] : memref<16384x77x64xf32, #tpu.memory_space<hbm>> -> memref<1x77x64xf32, #tpu.memory_space<hbm>>
          %dma_wait3A_302 = arith.constant 0 : i32
          %dma_wait3A_303 = arith.constant 0 : i32
          %dma_wait3A_304 = tpu.memref_slice %arg5[%add3A_298, %dma_wait3A_302, %dma_wait3A_303] : memref<16384x77x64xf32, #tpu.memory_space<hbm>> -> memref<1x77x64xf32, #tpu.memory_space<hbm>>
          tpu.wait_dma2 semaphore(%arg28 : memref<!tpu.dma_semaphore, #tpu.memory_space<semaphore_mem>>) src(%arg16 : memref<1x77x64xf32, #tpu.memory_space<vmem>>) dst(%dma_wait3A_304 : memref<1x77x64xf32, #tpu.memory_space<hbm>>)
        } else {
        }
        %add3A_274 = arith.constant 2 : i32
        %add3A_275 = arith.addi %add3A_228, %add3A_274 : i32
        %mul3A_276 = arith.constant 1 : i32
        %mul3A_277 = arith.muli %add3A_275, %mul3A_276 : i32
        %add3A_278 = arith.addi %mul3A_2, %mul3A_277 : i32
        %dma_wait3A_279 = arith.constant 0 : i32
        %dma_wait3A_280 = tpu.memref_slice %arg2[%add3A_278, %dma_wait3A_279] : memref<16384x77xi32, #tpu.memory_space<hbm>> -> memref<1x77xi32, #tpu.memory_space<hbm>>
        %dma_wait3A_281 = arith.constant 0 : i32
        %dma_wait3A_282 = tpu.memref_slice %arg2[%add3A_278, %dma_wait3A_281] : memref<16384x77xi32, #tpu.memory_space<hbm>> -> memref<1x77xi32, #tpu.memory_space<hbm>>
        tpu.wait_dma2 semaphore(%arg20 : memref<!tpu.dma_semaphore, #tpu.memory_space<semaphore_mem>>) src(%dma_wait3A_282 : memref<1x77xi32, #tpu.memory_space<hbm>>) dst(%arg8 : memref<1x77xi32, #tpu.memory_space<vmem>>)
        %dma_start3A_283 = arith.constant 0 : i32
        %dma_start3A_284 = arith.constant 0 : i32
        %dma_start3A_285 = arith.constant 0 : i32
        %dma_start3A_286 = arith.constant 0 : i32
        %dma_start3A_287 = tpu.memref_slice %arg12[%dma_start3A_284, %dma_start3A_285, %dma_start3A_286] : memref<1x77x128xf32, #tpu.memory_space<vmem>> -> memref<1x77x128xf32, #tpu.memory_space<vmem>>
        %dma_start3A_288 = tpu.memref_squeeze %dma_start3A_287 : memref<1x77x128xf32, #tpu.memory_space<vmem>> -> memref<77x128xf32, #tpu.memory_space<vmem>>
        %dma_start3A_289 = arith.constant 0 : i32
        %dma_start3A_290 = tpu.memref_slice %arg8[%dma_start3A_283, %dma_start3A_289] : memref<1x77xi32, #tpu.memory_space<vmem>> -> memref<1x77xi32, #tpu.memory_space<vmem>>
        %dma_start3A_291 = tpu.memref_squeeze %dma_start3A_290 : memref<1x77xi32, #tpu.memory_space<vmem>> -> memref<77xi32, #tpu.memory_space<vmem>>
        %dma_start3A_292 = arith.constant 0 : i32
        %dma_start3A_293 = arith.constant 0 : i32
        %dma_start3A_294 = tpu.memref_slice %arg3[%dma_start3A_292, %dma_start3A_293] : memref<100000x128xf32, #tpu.memory_space<hbm>> -> memref<100000x128xf32, #tpu.memory_space<hbm>>
        tpu.enqueue_indirect_dma source(%dma_start3A_294 : memref<100000x128xf32, #tpu.memory_space<hbm>>) target(%dma_start3A_288 : memref<77x128xf32, #tpu.memory_space<vmem>>) offsets(%dma_start3A_291 : memref<77xi32, #tpu.memory_space<vmem>>) semaphore(%arg24 : memref<!tpu.dma_semaphore, #tpu.memory_space<semaphore_mem>>)
      } else {
      }
      %add3A_263 = arith.constant 3 : i32
      %add3A_264 = arith.addi %add3A_228, %add3A_263 : i32
      %lt3A_265 = arith.constant 512 : i32
      %lt3A_266 = arith.cmpi slt, %add3A_264, %lt3A_265 : i32
      %convert_element_type3A_267 = arith.extui %lt3A_266 : i1 to i32
      %cond3A_268 = arith.constant 0 : i32
      %cond3A_269 = arith.cmpi ne, %convert_element_type3A_267, %cond3A_268 : i32
      scf.if %cond3A_269 {
        %add3A_270 = arith.constant 3 : i32
        %add3A_271 = arith.addi %add3A_228, %add3A_270 : i32
        %mul3A_272 = arith.constant 1 : i32
        %mul3A_273 = arith.muli %add3A_271, %mul3A_272 : i32
        %add3A_274 = arith.addi %mul3A_2, %mul3A_273 : i32
        %dma_start3A_275 = arith.constant 0 : i32
        %dma_start3A_276 = tpu.memref_slice %arg2[%add3A_274, %dma_start3A_275] : memref<16384x77xi32, #tpu.memory_space<hbm>> -> memref<1x77xi32, #tpu.memory_space<hbm>>
        %dma_start3A_277 = arith.constant 0 : i32
        %dma_start3A_278 = tpu.memref_slice %arg2[%add3A_274, %dma_start3A_277] : memref<16384x77xi32, #tpu.memory_space<hbm>> -> memref<1x77xi32, #tpu.memory_space<hbm>>
        tpu.enqueue_dma source(%dma_start3A_278 : memref<1x77xi32, #tpu.memory_space<hbm>>) target(%arg9 : memref<1x77xi32, #tpu.memory_space<vmem>>) target_semaphore(%arg21 : memref<!tpu.dma_semaphore, #tpu.memory_space<semaphore_mem>>)
      } else {
      }
    }
    %scan3A_59 = arith.constant 128 : i32
    %add3A_60 = arith.constant 508 : i32
    %add3A_61 = arith.addi %mul3A_2, %add3A_60 : i32
    %dma_wait3A_62 = arith.constant 0 : i32
    %dma_wait3A_63 = arith.constant 0 : i32
    %dma_wait3A_64 = tpu.memref_slice %arg5[%add3A_61, %dma_wait3A_62, %dma_wait3A_63] : memref<16384x77x64xf32, #tpu.memory_space<hbm>> -> memref<1x77x64xf32, #tpu.memory_space<hbm>>
    %dma_wait3A_65 = arith.constant 0 : i32
    %dma_wait3A_66 = arith.constant 0 : i32
    %dma_wait3A_67 = tpu.memref_slice %arg5[%add3A_61, %dma_wait3A_65, %dma_wait3A_66] : memref<16384x77x64xf32, #tpu.memory_space<hbm>> -> memref<1x77x64xf32, #tpu.memory_space<hbm>>
    tpu.wait_dma2 semaphore(%arg27 : memref<!tpu.dma_semaphore, #tpu.memory_space<semaphore_mem>>) src(%arg15 : memref<1x77x64xf32, #tpu.memory_space<vmem>>) dst(%dma_wait3A_67 : memref<1x77x64xf32, #tpu.memory_space<hbm>>)
    %add3A_68 = arith.constant 509 : i32
    %add3A_69 = arith.addi %mul3A_2, %add3A_68 : i32
    %dma_wait3A_70 = arith.constant 0 : i32
    %dma_wait3A_71 = arith.constant 0 : i32
    %dma_wait3A_72 = tpu.memref_slice %arg5[%add3A_69, %dma_wait3A_70, %dma_wait3A_71] : memref<16384x77x64xf32, #tpu.memory_space<hbm>> -> memref<1x77x64xf32, #tpu.memory_space<hbm>>
    %dma_wait3A_73 = arith.constant 0 : i32
    %dma_wait3A_74 = arith.constant 0 : i32
    %dma_wait3A_75 = tpu.memref_slice %arg5[%add3A_69, %dma_wait3A_73, %dma_wait3A_74] : memref<16384x77x64xf32, #tpu.memory_space<hbm>> -> memref<1x77x64xf32, #tpu.memory_space<hbm>>
    tpu.wait_dma2 semaphore(%arg28 : memref<!tpu.dma_semaphore, #tpu.memory_space<semaphore_mem>>) src(%arg16 : memref<1x77x64xf32, #tpu.memory_space<vmem>>) dst(%dma_wait3A_75 : memref<1x77x64xf32, #tpu.memory_space<hbm>>)
    %add3A_76 = arith.constant 510 : i32
    %add3A_77 = arith.addi %mul3A_2, %add3A_76 : i32
    %dma_wait3A_78 = arith.constant 0 : i32
    %dma_wait3A_79 = arith.constant 0 : i32
    %dma_wait3A_80 = tpu.memref_slice %arg5[%add3A_77, %dma_wait3A_78, %dma_wait3A_79] : memref<16384x77x64xf32, #tpu.memory_space<hbm>> -> memref<1x77x64xf32, #tpu.memory_space<hbm>>
    %dma_wait3A_81 = arith.constant 0 : i32
    %dma_wait3A_82 = arith.constant 0 : i32
    %dma_wait3A_83 = tpu.memref_slice %arg5[%add3A_77, %dma_wait3A_81, %dma_wait3A_82] : memref<16384x77x64xf32, #tpu.memory_space<hbm>> -> memref<1x77x64xf32, #tpu.memory_space<hbm>>
    tpu.wait_dma2 semaphore(%arg29 : memref<!tpu.dma_semaphore, #tpu.memory_space<semaphore_mem>>) src(%arg17 : memref<1x77x64xf32, #tpu.memory_space<vmem>>) dst(%dma_wait3A_83 : memref<1x77x64xf32, #tpu.memory_space<hbm>>)
    %add3A_84 = arith.constant 511 : i32
    %add3A_85 = arith.addi %mul3A_2, %add3A_84 : i32
    %dma_wait3A_86 = arith.constant 0 : i32
    %dma_wait3A_87 = arith.constant 0 : i32
    %dma_wait3A_88 = tpu.memref_slice %arg5[%add3A_85, %dma_wait3A_86, %dma_wait3A_87] : memref<16384x77x64xf32, #tpu.memory_space<hbm>> -> memref<1x77x64xf32, #tpu.memory_space<hbm>>
    %dma_wait3A_89 = arith.constant 0 : i32
    %dma_wait3A_90 = arith.constant 0 : i32
    %dma_wait3A_91 = tpu.memref_slice %arg5[%add3A_85, %dma_wait3A_89, %dma_wait3A_90] : memref<16384x77x64xf32, #tpu.memory_space<hbm>> -> memref<1x77x64xf32, #tpu.memory_space<hbm>>
    tpu.wait_dma2 semaphore(%arg30 : memref<!tpu.dma_semaphore, #tpu.memory_space<semaphore_mem>>) src(%arg18 : memref<1x77x64xf32, #tpu.memory_space<vmem>>) dst(%dma_wait3A_91 : memref<1x77x64xf32, #tpu.memory_space<hbm>>)
    return
  }
}

module attributes {stable_mosaic.version = 14 : i64} {
  func.func @_mask_body(%arg0: memref<16384x77xi32, #tpu.memory_space<vmem>>, %arg1: memref<16384x77xi32, #tpu.memory_space<vmem>>) attributes {dimension_semantics = [], scalar_prefetch = 0 : i64, scratch_operands = 0 : i64, tpu.core_type = #tpu.core_type<tc>} {
    %get3A = arith.constant 0 : index
    %get3A_0 = arith.constant 0 : index
    %get3A_1 = vector.load %arg0[%get3A, %get3A_0] : memref<16384x77xi32, #tpu.memory_space<vmem>>, vector<16384x77xi32>
    %eq3A = arith.constant 49407 : i32
    %eq3A_2 = vector.broadcast %eq3A : i32 to vector<16384x77xi32>
    %eq3A_3 = arith.cmpi eq, %get3A_1, %eq3A_2 : vector<16384x77xi32>
    %swap3A = arith.constant 0 : index
    %swap3A_4 = arith.constant 0 : index
    %swap3A_5 = vector.load %arg1[%swap3A, %swap3A_4] : memref<16384x77xi32, #tpu.memory_space<vmem>>, vector<16384x77xi32>
    %swap3A_6 = arith.extui %eq3A_3 : vector<16384x77xi1> to vector<16384x77xi32>
    %swap3A_7 = arith.constant dense<0> : vector<16384x77xi32>
    %swap3A_8 = arith.cmpi ne, %swap3A_5, %swap3A_7 : vector<16384x77xi32>
    tpu.vector_store %arg1[%swap3A, %swap3A_4], %swap3A_6 {strides = array<i32>} : memref<16384x77xi32, #tpu.memory_space<vmem>>, vector<16384x77xi32>,
    return
  }
}

</mosaic_0001>

<sc_bundles>
// kernel: kernel.4.cloned.1.call-start
scs
__scs_entry_jumppad:
0x0: {  	(pc) =	sbr.rel $0x88, $3  }
0x1: {  	(tag) =	ssettag $0x0;
	lr =	simm.s32 $0x1  }
0x2: {  	[smem:$0x3F9E] =	sst lr;
	_ =	strace $0xD0000000  }
0x3: {  	_ = 	snop  }
0x4: {  	_ = 	snop  }
0x5: {  	_ = 	snop  }
0x6: {  	_ = 	snop  }
0x7: {  	_ = 	snop  }
__scs_overlays_trampoline_lowered:
0x8: {  	[smem:$0x3FAD] =	sst s0  }
0x9: {  	[smem:$0x3FAE] =	sst s1  }
0xa: {  	[smem:$0x3FAF] =	sst s2  }
0xb: {  	[smem:$0x3FB0] =	sst s3  }
0xc: {  	[smem:$0x3FB1] =	sst s4  }
0xd: {  	[smem:$0x3FB2] =	sst s5  }
0xe: {  	[smem:$0x3FB3] =	sst s6  }
0xf: {  	[smem:$0x3FB4] =	sst s7  }
0x10: {  	[smem:$0x3FB5] =	sst s8  }
0x11: {  	[smem:$0x3FB6] =	sst s9;
	s0 =	simm.s32 @!p0 $0x0  }
0x12: {  	s1 =	sld [smem:$0x3F9C];
	s0 =	simm.s32 @p0 $0x1  }
0x13: {  	[smem:$0x3FB7] =	sst s0;
	s0 =	simm.s32 @!p1 $0x0  }
0x14: {  	s2 =	sld [smem:$0x3F9B];
	s0 =	simm.s32 @p1 $0x1  }
0x15: {  	[smem:$0x3FB8] =	sst s0;
	s0 =	simm.s32 @!p2 $0x0  }
0x16: {  	s3 =	sld [smem:$0x3FDB];
	s0 =	simm.s32 @p2 $0x1  }
0x17: {  	s4 =	simm.s32 $0x1BF5;
	[smem:$0x3FBA] =	sst s0  }
0x18: {  	s0 =	sld [smem:$0x3F9D];
	_ =	swait.ge [sflag:s4], $0x0  }
0x19: {  	s7 =	sld [smem:$0x3F9E]  }
0x1a: {  	s8 =	sadd.s32 $0xFFFFE003, lr  }
0x1b: {  	s9 =	sadd.s32 $0xFFFFFEF7, lr;
	s5 =	simm.s32 $0xFFFFFFFF;
	p2 =	slt.u32 s8, $0xFFFFF086  }
0x1c: {  	p1 =	slt.u32 s9, $0xF7A;
	s5 =	simm.s32 @!p2 $0x0  }
0x1d: {  	s5 =	simm.s32 @p1 $0x1;
	p0 =	seq.s32 s7, s2  }
0x1e: {  	s7 =	smul.u32 @!p0 $0xF7A, s2;
	p2 =	seq.s32 @!p0 s5, $0x0  }
0x1f: {  	s9 =	smul.u32 $0xF7A, s1;
	s8 =	simm.s32 @!p0 $0x1BF5;
	p2 =	por !p2, p0  }
0x20: {  	[sflag:s8] =	ssyncset.s32 @!p0 $0xFFFFF086;
	s6 =	sadd.s32 @!p0 s3, s7;
	s7 =	simm.s32 @!p0 $0x108  }
0x21: {  	s3 =	sadd.s32 s3, s9;
	s6 =	sadd.s32 @!p0 $0x88, s6;
	s7 =	simm.s32 @p2 $0x1082  }
0x22: {  	[simem:s7], [sflag:s8] =	dma.local @!p0 [hbm:s6], $0xF7A  }
0x23: {  	s9 =	sor.u32 $0xD0000000, s2;
	s6 =	simm.s32 $0x108;
	_ =	swait.ge @!p0 [sflag:s8], $0x0  }
0x24: {  	s3 =	sadd.s32 $0x88, s3;
	s6 =	simm.s32 @!p1 $0x1082;
	[sflag:s4] =	ssyncset.s32 $0xFFFFF086  }
0x25: {  	[simem:s6], [sflag:s4] =	dma.local [hbm:s3], $0xF7A  }
0x26: {  	[smem:$0x3F9E] =	sst s1;
	(tag) =	ssettag s2;
	_ =	strace s9  }
0x27: {  	s1 =	sld [smem:$0x3FAE]  }
0x28: {  	s2 =	sld [smem:$0x3FAF]  }
0x29: {  	s4 =	sld [smem:$0x3FB1]  }
0x2a: {  	p0 =	seq.s32 s5, $0x0;
	s5 =	sld [smem:$0x3FB2]  }
0x2b: {  	s6 =	sld [smem:$0x3FB3]  }
0x2c: {  	s7 =	sld [smem:$0x3FB4]  }
0x2d: {  	s3 =	simm.s32 $0x108;
	s8 =	sld [smem:$0x3FB5]  }
0x2e: {  	s3 =	simm.s32 @!p0 $0x1082;
	s9 =	sld [smem:$0x3FB6]  }
0x2f: {  	lr =	sadd.s32 s0, s3;
	s0 =	sld [smem:$0x3FAD]  }
0x30: {  	s3 =	sld [smem:$0x3FB0]  }
0x31: {  	[smem:$0x3FB9] =	sst s10  }
0x32: {  	s10 =	sld [smem:$0x3FB7];
	_ =	sdelay $0x3  }
0x33: {  	p0 =	seq.s32 s10, $0x1;
	s10 =	sld [smem:$0x3FB9];
	_ =	sdelay $0x3  }
0x34: {  	[smem:$0x3FB9] =	sst s10  }
0x35: {  	s10 =	sld [smem:$0x3FB8];
	_ =	sdelay $0x3  }
0x36: {  	p1 =	seq.s32 s10, $0x1;
	s10 =	sld [smem:$0x3FB9];
	_ =	sdelay $0x3  }
0x37: {  	[smem:$0x3FB9] =	sst s10  }
0x38: {  	s10 =	sld [smem:$0x3FBA]  }
0x39: {  	_ = 	snop;
	(pc) =	sbr.ind lr, $3  }
0x3a: {  	_ = 	snop  }
0x3b: {  	_ = 	snop  }
0x3c: {  	p2 =	seq.s32 s10, $0x1;
	s10 =	sld [smem:$0x3FB9]  }
0x3d: {  	_ =	shalt  }
0x3e: {  	_ =	shalt  }
0x3f: {  	_ =	shalt  }
0x40: {  	_ =	shalt  }
0x41: {  	_ =	shalt  }
0x42: {  	_ =	shalt  }
0x43: {  	_ =	shalt  }
0x44: {  	_ =	shalt  }
0x45: {  	_ =	shalt  }
0x46: {  	_ =	shalt  }
0x47: {  	_ =	shalt  }
0x48: {  	_ =	shalt  }
0x49: {  	_ =	shalt  }
0x4a: {  	_ =	shalt  }
0x4b: {  	_ =	shalt  }
0x4c: {  	_ =	shalt  }
0x4d: {  	_ =	shalt  }
0x4e: {  	_ =	shalt  }
0x4f: {  	_ =	shalt  }
0x50: {  	_ =	shalt  }
0x51: {  	_ =	shalt  }
0x52: {  	_ =	shalt  }
0x53: {  	_ =	shalt  }
0x54: {  	_ =	shalt  }
0x55: {  	_ =	shalt  }
0x56: {  	_ =	shalt  }
0x57: {  	_ =	shalt  }
0x58: {  	_ =	shalt  }
0x59: {  	_ =	shalt  }
0x5a: {  	_ =	shalt  }
0x5b: {  	_ =	shalt  }
0x5c: {  	_ =	shalt  }
0x5d: {  	_ =	shalt  }
0x5e: {  	_ =	shalt  }
0x5f: {  	_ =	shalt  }
0x60: {  	_ =	shalt  }
0x61: {  	_ =	shalt  }
0x62: {  	_ =	shalt  }
0x63: {  	_ =	shalt  }
0x64: {  	_ =	shalt  }
0x65: {  	_ =	shalt  }
0x66: {  	_ =	shalt  }
0x67: {  	_ =	shalt  }
0x68: {  	_ =	shalt  }
0x69: {  	_ =	shalt  }
0x6a: {  	_ =	shalt  }
0x6b: {  	_ =	shalt  }
0x6c: {  	_ =	shalt  }
0x6d: {  	_ =	shalt  }
0x6e: {  	_ =	shalt  }
0x6f: {  	_ =	shalt  }
0x70: {  	_ =	shalt  }
0x71: {  	_ =	shalt  }
0x72: {  	_ =	shalt  }
0x73: {  	_ =	shalt  }
0x74: {  	_ =	shalt  }
0x75: {  	_ =	shalt  }
0x76: {  	_ =	shalt  }
0x77: {  	_ =	shalt  }
0x78: {  	_ =	shalt  }
0x79: {  	_ =	shalt  }
0x7a: {  	_ =	shalt  }
0x7b: {  	_ =	shalt  }
0x7c: {  	_ =	shalt  }
0x7d: {  	_ =	shalt  }
0x7e: {  	_ =	shalt  }
0x7f: {  	_ =	shalt  }
0x80: {  	_ =	shalt  }
0x81: {  	_ =	shalt  }
0x82: {  	_ =	shalt  }
0x83: {  	_ =	shalt  }
0x84: {  	_ =	shalt  }
0x85: {  	_ =	shalt  }
0x86: {  	_ =	shalt  }
0x87: {  	_ =	shalt  }
.Lfunc_end0:
.L_simem_size_0:
called_computation_lowered:
.L_overlay_start_0:
0x88: {  	s2 =	sld [smem:$0x3FD9]  }
0x89: {  	s3 =	sld [smem:$0x3FFE];
	_ =	sdelay $0x1  }
0x8a: {  	s1 =	srdreg.scid  }
0x8b: {  	s0 =	sand.u32 $0x1, s1  }
0x8c: {  	s16 =	sshll.u32 s0, $0xA;
	s2 =	sadd.s32 s3, s2  }
0x8d: {  	s2 =	sadd.s32 s2, s16  }
0x8e: {  	[smem:$0x3FC5] =	sst s2  }
0x8f: {  	_ = 	snop  }
0x90: {  	(tm) =	ssettm $0x1  }
0x91: {  	s17 =	sld [smem:$0x3FFB];
	_ =	sdelay $0x3  }
0x92: {  	_ =	strace s17  }
0x93: {  	s2 =	sld [smem:$0x3FFC];
	_ =	sdelay $0x3  }
0x94: {  	_ =	strace s2  }
0x95: {  	s2 =	sld [smem:$0x3FFD];
	_ =	sdelay $0x3  }
0x96: {  	_ =	strace s2  }
0x97: {  	_ =	strace $0x8FFFFFFF  }
0x98: {  	s18 =	sld [smem:$0x3FDB];
	_ =	sdelay $0x1  }
0x99: {  	s19 =	simm.s32 $_scs_section_size  }
0x9a: {  	s4 =	simm.s32 $_size__tile_overlayer_lowered;
	s5 =	simm.s32 $_tile_overlayer_lowered  }
0x9b: {  	s22 =	simm.s32 $0x1BFF;
	s21 =	sshll.u32 s5, $0x1;
	s2 =	sadd.s32 s19, s18  }
0x9c: {  	s6 =	simm.s32 $0x0;
	s20 =	sshll.u32 s4, $0x1;
	s4 =	sadd.s32 s21, s2  }
0x9d: {  	[timem:s6], [sflag:s22] =	dma.local [hbm:s4], s20  }
0x9e: {  	_ =	swait.ge [sflag:s22], s20  }
0x9f: {  	s3 =	ssub.s32 $0x0, s20;
	[sflag:s22] =	ssyncset.done $0x0  }
0xa0: {  	[sflag:s22] =	ssyncadd.s32 s3;
	_ =	sdelay $0x1  }
0xa1: {  	s23 =	simm.s32 $0x1B8B  }
0xa2: {  	_ =	swait.ge [sflag:s23], $0x1  }
0xa3: {  	[sflag:s23] =	ssyncset.done $0x0  }
0xa4: {  	s25 =	simm.s32 $0x1B8E;
	s24 =	sld [smem:$0x3FFE];
	[sflag:s23] =	ssyncadd.s32 $0xFFFFFFFF  }
0xa5: {  	s26 =	simm.s32 $execute0_lowered;
	[smem:$0x3FD2] =	sst s25  }
0xa6: {  	s4 =	sshll.u32 s26, $0x1;
	_ =	strace $0x80000046;
	[dreg:$0x1] =	wrdreg $0xFFFFFFFF  }
0xa7: {  	s28 =	simm.s32 $_size_execute0_lowered;
	s2 =	sadd.s32 s2, s4;
	[dreg:$0x0] =	wrdreg $0x0  }
0xa8: {  	s4 =	sshll.u32 s28, $0x1;
	[dreg:$0x2] =	wrdreg s2  }
0xa9: {  	[dreg:$0x3] =	wrdreg s4  }
0xaa: {  	[dreg:$0x4] =	wrdreg $0xC0  }
0xab: {  	_ =	task [dreg:s6], $0x5FFFF  }
0xac: {  	[dreg:$0x1] =	wrdreg $0xFFFFFFFF  }
0xad: {  	[dreg:$0x0] =	wrdreg $0x60  }
0xae: {  	[dreg:$0x2] =	wrdreg s24  }
0xaf: {  	[dreg:$0x3] =	wrdreg $0x9  }
0xb0: {  	_ =	task.clear_ibuf [dreg:s6], $0x4FFFF;
	_ =	strace $0x90000046  }
0xb1: {  	s29 =	simm.s32 $0x9;
	_ =	strace $0x80000048  }
0xb2: {  	_ =	swait.ge [sflag:s29], $0x1  }
0xb3: {  	[sflag:s29] =	ssyncadd.s32 $0xFFFFFFFF  }
0xb4: {  	_ =	strace $0x90000048  }
0xb5: {  	_ =	sfence  }
0xb6: {  	s30 =	sld [smem:$0x0];
	_ =	sdelay $0x2  }
0xb7: {  	s31 =	sshll.u32 s1, $0xD;
	s1 =	sshrl.u32 s1, $0x2  }
0xb8: {  	s3 =	sand.u32 $0x4000, s31;
	s1 =	sadd.s32 s1, s30  }
0xb9: {  	s0 =	sor.u32 s3, s0;
	s1 =	sshll.u32 s1, $0x11  }
0xba: {  	s0 =	sor.u32 s1, s0  }
0xbb: {  	s0 =	sadd.s32 $0x8F2B, s0  }
0xbc: {  	[sflag:s0] =	ssyncadd.remote.s32 $0x1  }
0xbd: {  	_ =	sfence.sel $0xFFFF  }
0xbe: {  	[dreg:$0x0] =	wrdreg $0xFFFFFFFF;
	(pc) =	sbr.abs _section_cstart, $3  }
0xbf: {  	[dreg:$0x1] =	wrdreg $0xFFFFFFFF  }
0xc0: {  	_ =	task.clear_ibuf [dreg:s6], $0x2FFFF;
	_ =	strace $0x9FFFFFFF  }
0xc1: {  	(tm) =	ssettm $0x7FFFFFFF  }
tec
execute0_lowered:
.L_overlay_start_1:
0x0: {  	(tag) =	ssettag $0x1  }
0x1: {  	s0 =	rddreg [dreg:$0x0];
	s2 =	simm.s32 $0x0;
	s1 =	srdreg.scid  }
0x2: {  	s4 =	stileid.u32;
	s14 =	simm.s32 $0x2880;
	s15 =	simm.s32 $0x2900  }
0x3: {  	s17 =	simm.s32 $0x4D;
	s19 =	simm.s32 $0x2;
	s20 =	simm.s32 $0x5200  }
0x4: {  	s21 =	simm.s32 $0x5;
	s28 =	simm.s32 $0xF200;
	s29 =	simm.s32 $0x4  }
0x5: {  	s30 =	simm.s32 $0xA200;
	s31 =	simm.s32 $0x7;
	s18 =	simm.s32 $0x14200  }
0x6: {  	s13 =	simm.s32 $0xA;
	s9 =	simm.s32 $0x0;
	[smem:$0x7FF] =	sst s2  }
0x7: {  	s1 =	sand.u32 $0x1, s1;
	s3 =	sadd.s32 $0xC00, s0;
	s5 =	sshll.u32 s4, $0xA  }
0x8: {  	s4 =	sadd.s32 $0x40C00, s0;
	s22 =	sadd.s32 $0x600, s0;
	s7 =	sadd.s32 $0x1C7600, s0  }
0x9: {  	_ =	strace $0x80000047;
	s6 =	sshll.u32 s1, $0x9;
	s1 =	ssub.s32 $0x2, s1  }
0xa: {  	[dreg:$0x2] =	wrdreg s22;
	s5 =	sor.u32 s6, s5;
	s23 =	sshrl.u32 s1, $0x1  }
0xb: {  	s22 =	simm.s32 $0xCA00;
	s8 =	sshll.u32 s5, $0x4;
	s24 =	ssub.s32 s1, s23  }
.Ltmp0:
0xc: {  	s23 =	simm.s32 $0x3;
	s25 =	sadd.s32 s3, s8;
	(pc) =	sbr.rel .LBB2_1-.Ltmp0, $4  }
0xd: {  	s0 =	smax.u32 s24, $0x1;
	s24 =	simm.s32 $0x7A00;
	[dreg:$0x3] =	wrdreg s25  }
0xe: {  	s26 =	sadd.s32 $0x10, s25;
	s1 =	sadd.s32 $0x20, s25;
	[dreg:$0x6] =	wrdreg s0  }
0xf: {  	s25 =	simm.s32 $0x2980;
	s0 =	simm.s32 $0x11A00;
	[dreg:$0x4] =	wrdreg s26  }
0x10: {  	[dreg:$0x5] =	wrdreg s1;
	s26 =	simm.s32 $0x6;
	s1 =	simm.s32 $0x8  }
.LBB2_12:
0x11: {  	s6 =	simm.s32 $0x9  }
0x12: {  	_ =	swait.ge [sflag:s6], $0x2680  }
0x13: {  	[sflag:s6] =	ssyncset.done $0x0  }
0x14: {  	[sflag:s6] =	ssyncadd.s32 $0xFFFFD980  }
0x15: {  	_ =	swait.ge [sflag:s13], $0x2680  }
0x16: {  	[sflag:s13] =	ssyncset.done $0x0  }
0x17: {  	s12 =	simm.s32 $0xB;
	[sflag:s13] =	ssyncadd.s32 $0xFFFFD980  }
0x18: {  	_ =	swait.ge [sflag:s12], $0x2680  }
0x19: {  	[sflag:s12] =	ssyncset.done $0x0  }
0x1a: {  	s8 =	simm.s32 $0xC;
	[sflag:s12] =	ssyncadd.s32 $0xFFFFD980  }
0x1b: {  	_ =	swait.ge [sflag:s8], $0x2680  }
0x1c: {  	s9 =	rddreg [dreg:$0x7]  }
0x1d: {  	s16 =	rddreg [dreg:$0x6];
	s9 =	sadd.s32 $0x1, s9  }
0x1e: {  	p0 =	sne.s32 s9, s16  }
.Ltmp1:
0x1f: {  	_ = 	snop;
	(pc) =	sbr.rel @!p0 .LBB2_13-.Ltmp1, $3  }
0x20: {  	_ =	sdelay $0x1  }
0x21: {  	[sflag:s8] =	ssyncset.done $0x0  }
0x22: {  	[sflag:s8] =	ssyncadd.s32 $0xFFFFD980  }
.LBB2_1:
0x23: {  	[dreg:$0x7] =	wrdreg s9  }
0x24: {  	s6 =	rddreg [dreg:$0x2];
	s8 =	simm.s32 $0xD  }
0x25: {  	[tilespmem:s2], [sflag:$0xD] =	stream.linear.gather [hbm4b:s6+s2], $0x2680, $0x38;
	[tilespmem:$0x16A00] =	vst v63  }
0x26: {  	_ =	swait.ge [sflag:s8], $0x2680  }
0x27: {  	[sflag:s8] =	ssyncset.done $0x0  }
0x28: {  	s9 =	rddreg [dreg:$0x3];
	[sflag:s8] =	ssyncadd.s32 $0xFFFFD980;
	s8 =	simm.s32 $0x2800  }
0x29: {  	[tilespmem:s8], [sflag:$0x1] =	stream.linear.gather [hbm4b:s9+s2], $0x80, $0x38;
	[tilespmem:$0x16A00] =	vst v63  }
0x2a: {  	s10 =	rddreg [dreg:$0x4]  }
0x2b: {  	[tilespmem:s14], [sflag:$0x2] =	stream.linear.gather [hbm4b:s10+s2], $0x80, $0x38;
	[tilespmem:$0x16A00] =	vst v63  }
0x2c: {  	s12 =	simm.s32 $0x1;
	s11 =	rddreg [dreg:$0x5]  }
0x2d: {  	[tilespmem:s15], [sflag:$0x3] =	stream.linear.gather [hbm4b:s11+s2], $0x80, $0x38;
	[tilespmem:$0x16A00] =	vst v63  }
0x2e: {  	_ =	swait.ge [sflag:s12], $0x80  }
0x2f: {  	[sflag:s12] =	ssyncset.done $0x0  }
0x30: {  	s16 =	simm.s32 $0x2A00;
	[sflag:s12] =	ssyncadd.s32 $0xFFFFFF80  }
0x31: {  	[tilespmem:s16], [sflag:$0x5] =	stream.indirect.gather [hbm4b:s4+s17], $0x80, s8, s17, $0xb8;
	[tilespmem:$0x16A00] =	vst v63  }
0x32: {  	_ =	swait.ge [sflag:s19], $0x80  }
0x33: {  	[sflag:s19] =	ssyncset.done $0x0  }
0x34: {  	s8 =	simm.s32 $0x0;
	[sflag:s19] =	ssyncadd.s32 $0xFFFFFF80  }
0x35: {  	[tilespmem:s20], [sflag:$0x6] =	stream.indirect.gather [hbm4b:s4+s17], $0x80, s14, s17, $0xb8;
	[tilespmem:$0x16A00] =	vst v63  }
.LBB2_2:
0x36: {  	_ =	swait.ge [sflag:s21], $0x2680  }
0x37: {  	[sflag:s21] =	ssyncset.done $0x0  }
0x38: {  	s9 =	simm.s32 $0x0;
	[sflag:s21] =	ssyncadd.s32 $0xFFFFD980  }
0x39: {  	v2 =	vld [tilespmem:s9+$0x30]  }
0x3a: {  	v4 =	vld [tilespmem:s9+$0x2A30]  }
0x3b: {  	v5 =	vld [tilespmem:s9+$0x0]  }
0x3c: {  	v6 =	vld [tilespmem:s9+$0x2A00]  }
0x3d: {  	v1 =	vld [tilespmem:s9+$0x10]  }
0x3e: {  	v3 =	vld [tilespmem:s9+$0x2A10]  }
0x3f: {  	v0 =	vld [tilespmem:s9+$0x20];
	v7 =	vadd.f32 v4, v2  }
0x40: {  	s6 =	simm.s32 $0x80;
	v4 =	vld [tilespmem:s9+$0x2A20]  }
0x41: {  	s10 =	simm.s32 $0x400;
	v2 =	vld [tilespmem:s6+$0x30];
	v5 =	vadd.f32 v6, v5;
	[tilespmem:s9+$0xCA30] =	vst v7  }
.LBB2_3:
0x42: {  	p0 =	sne.s32 s10, $0x9800;
	v6 =	vld [tilespmem:s6+$0x2A30]  }
0x43: {  	v7 =	vld [tilespmem:s6+$0x0];
	[tilespmem:s9+$0xCA00] =	vst v5;
	v3 =	vadd.f32 v3, v1  }
0x44: {  	v5 =	vld [tilespmem:s6+$0x2A00]  }
.Ltmp2:
0x45: {  	v1 =	vld [tilespmem:s6+$0x10];
	[tilespmem:s9+$0xCA10] =	vst v3;
	v4 =	vadd.f32 v4, v0;
	(pc) =	sbr.rel @p0 .LBB2_3-.Ltmp2, $4  }
0x46: {  	v3 =	vld [tilespmem:s6+$0x2A10]  }
0x47: {  	v0 =	vld [tilespmem:s6+$0x20];
	v6 =	vadd.f32 v6, v2;
	[tilespmem:s9+$0xCA20] =	vst v4;
	s9 =	smov.u32 s6  }
0x48: {  	s6 =	sshra.s32 s10, $0x2;
	v4 =	vld [tilespmem:s9+$0x2A20]  }
0x49: {  	s10 =	sadd.s32 $0x200, s10;
	v2 =	vld [tilespmem:s6+$0x30];
	v5 =	vadd.f32 v5, v7;
	[tilespmem:s9+$0xCA30] =	vst v6  }
0x4a: {  	v6 =	vld [tilespmem:s6+$0x2A30]  }
0x4b: {  	v7 =	vld [tilespmem:s6+$0x0];
	[tilespmem:s9+$0xCA00] =	vst v5;
	v1 =	vadd.f32 v3, v1  }
0x4c: {  	v3 =	vld [tilespmem:s6+$0x2A00]  }
0x4d: {  	v5 =	vld [tilespmem:s6+$0x10];
	[tilespmem:s9+$0xCA10] =	vst v1;
	v0 =	vadd.f32 v4, v0  }
0x4e: {  	v1 =	vld [tilespmem:s6+$0x2A10]  }
0x4f: {  	v4 =	vld [tilespmem:s6+$0x20];
	[tilespmem:s9+$0xCA20] =	vst v0  }
0x50: {  	v0 =	vld [tilespmem:s6+$0x2A20];
	_ =	sdelay $0x1  }
0x51: {  	v2 =	vadd.f32 v6, v2  }
0x52: {  	s12 =	sshll.u32 s8, $0x2;
	v3 =	vadd.f32 v3, v7  }
0x53: {  	s11 =	sor.u32 s5, s12;
	[tilespmem:s6+$0xCA30] =	vst v2;
	v1 =	vadd.f32 v1, v5  }
0x54: {  	s10 =	smul.u32 $0x500, s11;
	[tilespmem:s6+$0xCA00] =	vst v3;
	v0 =	vadd.f32 v0, v4  }
0x55: {  	p0 =	seq.s32 s8, $0x0;
	[tilespmem:s6+$0xCA10] =	vst v1  }
0x56: {  	s16 =	sadd.s32 s7, s10;
	[tilespmem:s6+$0xCA20] =	vst v0;
	s6 =	simm.s32 @!p0 $0xB  }
0x57: {  	[hbm4b:s16+s2] =	stream.linear.scatter [tilespmem:s22], [sflag:$0x9], $0x2680, $0x38;
	[tilespmem:$0x16A00] =	vst v63  }
0x58: {  	_ =	swait.ge @!p0 [sflag:s6], $0x2680  }
0x59: {  	[sflag:s6] =	ssyncset.done @!p0 $0x0  }
0x5a: {  	s16 =	sor.u32 $0x3, s12;
	[sflag:s6] =	ssyncadd.s32 @!p0 $0xFFFFD980  }
0x5b: {  	s10 =	sshll.u32 s16, $0x4;
	_ =	swait.ge [sflag:s23], $0x80  }
0x5c: {  	s9 =	sshll.u32 s11, $0x4;
	s6 =	sand.u32 $0x70, s10;
	[sflag:s23] =	ssyncset.done $0x0  }
0x5d: {  	s9 =	sand.u32 $0x3FF80, s9;
	s6 =	sadd.s32 s3, s6;
	[sflag:s23] =	ssyncadd.s32 $0xFFFFFF80  }
0x5e: {  	[tilespmem:s24], [sflag:$0x7] =	stream.indirect.gather [hbm4b:s4+s17], $0x80, s15, s17, $0xb8;
	[tilespmem:$0x16A00] =	vst v63  }
0x5f: {  	s11 =	simm.s32 $0x0;
	s6 =	sadd.s32 s9, s6  }
0x60: {  	[tilespmem:s25], [sflag:$0x4] =	stream.linear.gather [hbm4b:s6+s11], $0x80, $0x38;
	[tilespmem:$0x16A00] =	vst v63  }
0x61: {  	_ =	swait.ge [sflag:s26], $0x2680  }
0x62: {  	[sflag:s26] =	ssyncset.done $0x0  }
0x63: {  	s10 =	simm.s32 $0x0;
	[sflag:s26] =	ssyncadd.s32 $0xFFFFD980  }
0x64: {  	v2 =	vld [tilespmem:s10+$0x30]  }
0x65: {  	v4 =	vld [tilespmem:s10+$0x5230]  }
0x66: {  	v5 =	vld [tilespmem:s10+$0x0]  }
0x67: {  	v6 =	vld [tilespmem:s10+$0x5200]  }
0x68: {  	v1 =	vld [tilespmem:s10+$0x10]  }
0x69: {  	v3 =	vld [tilespmem:s10+$0x5210]  }
0x6a: {  	v0 =	vld [tilespmem:s10+$0x20];
	v7 =	vadd.f32 v4, v2  }
0x6b: {  	s9 =	simm.s32 $0x80;
	v4 =	vld [tilespmem:s10+$0x5220]  }
0x6c: {  	s6 =	sor.u32 $0x2, s12;
	s11 =	simm.s32 $0x400;
	v2 =	vld [tilespmem:s9+$0x30];
	v5 =	vadd.f32 v6, v5;
	[tilespmem:s10+$0xF230] =	vst v7  }
.LBB2_5:
0x6d: {  	p1 =	sne.s32 s11, $0x9800;
	v6 =	vld [tilespmem:s9+$0x5230]  }
0x6e: {  	v7 =	vld [tilespmem:s9+$0x0];
	[tilespmem:s10+$0xF200] =	vst v5;
	v3 =	vadd.f32 v3, v1  }
0x6f: {  	v5 =	vld [tilespmem:s9+$0x5200]  }
.Ltmp3:
0x70: {  	v1 =	vld [tilespmem:s9+$0x10];
	[tilespmem:s10+$0xF210] =	vst v3;
	v4 =	vadd.f32 v4, v0;
	(pc) =	sbr.rel @p1 .LBB2_5-.Ltmp3, $4  }
0x71: {  	v3 =	vld [tilespmem:s9+$0x5210]  }
0x72: {  	v0 =	vld [tilespmem:s9+$0x20];
	v6 =	vadd.f32 v6, v2;
	[tilespmem:s10+$0xF220] =	vst v4;
	s10 =	smov.u32 s9  }
0x73: {  	s9 =	sshra.s32 s11, $0x2;
	v4 =	vld [tilespmem:s10+$0x5220]  }
0x74: {  	s11 =	sadd.s32 $0x200, s11;
	v2 =	vld [tilespmem:s9+$0x30];
	v5 =	vadd.f32 v5, v7;
	[tilespmem:s10+$0xF230] =	vst v6  }
0x75: {  	v6 =	vld [tilespmem:s9+$0x5230]  }
0x76: {  	v7 =	vld [tilespmem:s9+$0x0];
	[tilespmem:s10+$0xF200] =	vst v5;
	v1 =	vadd.f32 v3, v1  }
0x77: {  	v3 =	vld [tilespmem:s9+$0x5200]  }
0x78: {  	v5 =	vld [tilespmem:s9+$0x10];
	[tilespmem:s10+$0xF210] =	vst v1;
	v0 =	vadd.f32 v4, v0  }
0x79: {  	v1 =	vld [tilespmem:s9+$0x5210]  }
0x7a: {  	v4 =	vld [tilespmem:s9+$0x20];
	[tilespmem:s10+$0xF220] =	vst v0  }
0x7b: {  	v0 =	vld [tilespmem:s9+$0x5220];
	_ =	sdelay $0x1  }
0x7c: {  	v2 =	vadd.f32 v6, v2  }
0x7d: {  	s11 =	sadd.s32 s12, s5;
	v3 =	vadd.f32 v3, v7  }
0x7e: {  	s10 =	smul.u32 $0x500, s11;
	[tilespmem:s9+$0xF230] =	vst v2;
	v1 =	vadd.f32 v1, v5  }
0x7f: {  	[tilespmem:s9+$0xF200] =	vst v3;
	v0 =	vadd.f32 v0, v4  }
0x80: {  	s10 =	sadd.s32 s7, s10;
	[tilespmem:s9+$0xF210] =	vst v1  }
0x81: {  	s11 =	sadd.s32 $0x500, s10;
	[tilespmem:s9+$0xF220] =	vst v0;
	s9 =	simm.s32 @!p0 $0xC  }
0x82: {  	[hbm4b:s11+s2] =	stream.linear.scatter [tilespmem:s28], [sflag:$0xA], $0x2680, $0x38;
	[tilespmem:$0x16A00] =	vst v63  }
0x83: {  	_ =	swait.ge @!p0 [sflag:s9], $0x2680  }
0x84: {  	[sflag:s9] =	ssyncset.done @!p0 $0x0  }
0x85: {  	[sflag:s9] =	ssyncadd.s32 @!p0 $0xFFFFD980;
	p0 =	seq.s32 s8, $0x7F  }
0x86: {  	_ =	swait.ge [sflag:s29], $0x80;
	s9 =	sadd.s32 @!p0 $0x4, s12  }
0x87: {  	[sflag:s29] =	ssyncset.done $0x0;
	s10 =	sadd.s32 @!p0 s5, s9;
	s9 =	sshll.u32 @!p0 s9, $0x4  }
0x88: {  	[sflag:s29] =	ssyncadd.s32 $0xFFFFFF80;
	s10 =	sshll.u32 @!p0 s10, $0x4;
	s9 =	sand.u32 @!p0 $0x40, s9  }
0x89: {  	[tilespmem:s30], [sflag:$0x8] =	stream.indirect.gather [hbm4b:s4+s17], $0x80, s25, s17, $0xb8;
	[tilespmem:$0x16A00] =	vst v63  }
0x8a: {  	s10 =	sand.u32 @!p0 $0x7FF80, s10;
	s9 =	sadd.s32 @!p0 s3, s9  }
0x8b: {  	s11 =	simm.s32 @!p0 $0x2800;
	s9 =	sadd.s32 @!p0 s10, s9;
	s10 =	simm.s32 @!p0 $0x0  }
0x8c: {  	[tilespmem:s11], [sflag:$0x1] =	stream.linear.gather @!p0 [hbm4b:s9+s10], $0x80, $0x38;
	[tilespmem:$0x16A00] =	vst v63  }
0x8d: {  	_ =	swait.ge [sflag:s31], $0x2680  }
0x8e: {  	[sflag:s31] =	ssyncset.done $0x0  }
0x8f: {  	s10 =	simm.s32 $0x0;
	[sflag:s31] =	ssyncadd.s32 $0xFFFFD980  }
0x90: {  	v2 =	vld [tilespmem:s10+$0x30]  }
0x91: {  	v4 =	vld [tilespmem:s10+$0x7A30]  }
0x92: {  	v5 =	vld [tilespmem:s10+$0x0]  }
0x93: {  	v6 =	vld [tilespmem:s10+$0x7A00]  }
0x94: {  	v1 =	vld [tilespmem:s10+$0x10]  }
0x95: {  	v3 =	vld [tilespmem:s10+$0x7A10]  }
0x96: {  	v0 =	vld [tilespmem:s10+$0x20];
	v7 =	vadd.f32 v4, v2  }
0x97: {  	s9 =	simm.s32 $0x80;
	v4 =	vld [tilespmem:s10+$0x7A20]  }
0x98: {  	s11 =	simm.s32 $0x400;
	v2 =	vld [tilespmem:s9+$0x30];
	v5 =	vadd.f32 v6, v5;
	[tilespmem:s10+$0x11A30] =	vst v7  }
.LBB2_7:
0x99: {  	p1 =	sne.s32 s11, $0x9800;
	v6 =	vld [tilespmem:s9+$0x7A30]  }
0x9a: {  	v7 =	vld [tilespmem:s9+$0x0];
	[tilespmem:s10+$0x11A00] =	vst v5;
	v3 =	vadd.f32 v3, v1  }
0x9b: {  	v5 =	vld [tilespmem:s9+$0x7A00]  }
.Ltmp4:
0x9c: {  	v1 =	vld [tilespmem:s9+$0x10];
	[tilespmem:s10+$0x11A10] =	vst v3;
	v4 =	vadd.f32 v4, v0;
	(pc) =	sbr.rel @p1 .LBB2_7-.Ltmp4, $4  }
0x9d: {  	v3 =	vld [tilespmem:s9+$0x7A10]  }
0x9e: {  	v0 =	vld [tilespmem:s9+$0x20];
	v6 =	vadd.f32 v6, v2;
	[tilespmem:s10+$0x11A20] =	vst v4;
	s10 =	smov.u32 s9  }
0x9f: {  	s9 =	sshra.s32 s11, $0x2;
	v4 =	vld [tilespmem:s10+$0x7A20]  }
0xa0: {  	s11 =	sadd.s32 $0x200, s11;
	v2 =	vld [tilespmem:s9+$0x30];
	v5 =	vadd.f32 v5, v7;
	[tilespmem:s10+$0x11A30] =	vst v6  }
0xa1: {  	v6 =	vld [tilespmem:s9+$0x7A30]  }
0xa2: {  	v7 =	vld [tilespmem:s9+$0x0];
	[tilespmem:s10+$0x11A00] =	vst v5;
	v1 =	vadd.f32 v3, v1  }
0xa3: {  	v3 =	vld [tilespmem:s9+$0x7A00]  }
0xa4: {  	v5 =	vld [tilespmem:s9+$0x10];
	[tilespmem:s10+$0x11A10] =	vst v1;
	v0 =	vadd.f32 v4, v0  }
0xa5: {  	v1 =	vld [tilespmem:s9+$0x7A10]  }
0xa6: {  	v4 =	vld [tilespmem:s9+$0x20];
	[tilespmem:s10+$0x11A20] =	vst v0  }
0xa7: {  	v0 =	vld [tilespmem:s9+$0x7A20];
	_ =	sdelay $0x1  }
0xa8: {  	v2 =	vadd.f32 v6, v2  }
0xa9: {  	v3 =	vadd.f32 v3, v7  }
0xaa: {  	s6 =	sadd.s32 s5, s6;
	[tilespmem:s9+$0x11A30] =	vst v2;
	v1 =	vadd.f32 v1, v5  }
0xab: {  	s6 =	smul.u32 $0x500, s6;
	[tilespmem:s9+$0x11A00] =	vst v3;
	v0 =	vadd.f32 v0, v4  }
0xac: {  	[tilespmem:s9+$0x11A10] =	vst v1  }
0xad: {  	s6 =	sadd.s32 s7, s6;
	[tilespmem:s9+$0x11A20] =	vst v0  }
0xae: {  	[hbm4b:s6+s2] =	stream.linear.scatter [tilespmem:s0], [sflag:$0xB], $0x2680, $0x38;
	[tilespmem:$0x16A00] =	vst v63  }
0xaf: {  	s6 =	simm.s32 @!p0 $0x9  }
0xb0: {  	_ =	swait.ge @!p0 [sflag:s6], $0x2680  }
0xb1: {  	[sflag:s6] =	ssyncset.done @!p0 $0x0  }
0xb2: {  	[sflag:s6] =	ssyncadd.s32 @!p0 $0xFFFFD980;
	s6 =	simm.s32 @!p0 $0x1  }
0xb3: {  	_ =	swait.ge @!p0 [sflag:s6], $0x80  }
0xb4: {  	s10 =	simm.s32 @!p0 $0x2A00;
	[sflag:s6] =	ssyncset.done @!p0 $0x0  }
0xb5: {  	s9 =	simm.s32 @!p0 $0x2800;
	[sflag:s6] =	ssyncadd.s32 @!p0 $0xFFFFFF80;
	s6 =	simm.s32 @!p0 $0x4D  }
0xb6: {  	[tilespmem:s10], [sflag:$0x5] =	stream.indirect.gather @!p0 [hbm4b:s4+s6], $0x80, s9, s6, $0xb8;
	[tilespmem:$0x16A00] =	vst v63  }
0xb7: {  	s6 =	sadd.s32 @!p0 $0x5, s12  }
0xb8: {  	s9 =	sadd.s32 @!p0 s5, s6;
	s6 =	sshll.u32 @!p0 s6, $0x4  }
0xb9: {  	s9 =	sshll.u32 @!p0 s9, $0x4;
	s6 =	sand.u32 @!p0 $0x50, s6  }
0xba: {  	s9 =	sand.u32 @!p0 $0x7FF80, s9;
	s6 =	sadd.s32 @!p0 s3, s6  }
0xbb: {  	s10 =	simm.s32 @!p0 $0x2880;
	s6 =	sadd.s32 @!p0 s9, s6;
	s9 =	simm.s32 @!p0 $0x0  }
0xbc: {  	[tilespmem:s10], [sflag:$0x2] =	stream.linear.gather @!p0 [hbm4b:s6+s9], $0x80, $0x38;
	[tilespmem:$0x16A00] =	vst v63  }
0xbd: {  	_ =	swait.ge [sflag:s1], $0x2680  }
0xbe: {  	[sflag:s1] =	ssyncset.done $0x0  }
0xbf: {  	s9 =	simm.s32 $0x0;
	[sflag:s1] =	ssyncadd.s32 $0xFFFFD980  }
0xc0: {  	v2 =	vld [tilespmem:s9+$0x30]  }
0xc1: {  	v4 =	vld [tilespmem:s9+$0xA230]  }
0xc2: {  	v5 =	vld [tilespmem:s9+$0x0]  }
0xc3: {  	v6 =	vld [tilespmem:s9+$0xA200]  }
0xc4: {  	v1 =	vld [tilespmem:s9+$0x10]  }
0xc5: {  	v3 =	vld [tilespmem:s9+$0xA210]  }
0xc6: {  	v0 =	vld [tilespmem:s9+$0x20];
	v7 =	vadd.f32 v4, v2  }
0xc7: {  	s6 =	simm.s32 $0x80;
	v4 =	vld [tilespmem:s9+$0xA220]  }
0xc8: {  	s10 =	simm.s32 $0x400;
	v2 =	vld [tilespmem:s6+$0x30];
	v5 =	vadd.f32 v6, v5;
	[tilespmem:s9+$0x14230] =	vst v7  }
.LBB2_9:
0xc9: {  	p1 =	sne.s32 s10, $0x9800;
	v6 =	vld [tilespmem:s6+$0xA230]  }
0xca: {  	v7 =	vld [tilespmem:s6+$0x0];
	[tilespmem:s9+$0x14200] =	vst v5;
	v3 =	vadd.f32 v3, v1  }
0xcb: {  	v5 =	vld [tilespmem:s6+$0xA200]  }
.Ltmp5:
0xcc: {  	v1 =	vld [tilespmem:s6+$0x10];
	[tilespmem:s9+$0x14210] =	vst v3;
	v4 =	vadd.f32 v4, v0;
	(pc) =	sbr.rel @p1 .LBB2_9-.Ltmp5, $4  }
0xcd: {  	v3 =	vld [tilespmem:s6+$0xA210]  }
0xce: {  	v0 =	vld [tilespmem:s6+$0x20];
	v6 =	vadd.f32 v6, v2;
	[tilespmem:s9+$0x14220] =	vst v4;
	s9 =	smov.u32 s6  }
0xcf: {  	s6 =	sshra.s32 s10, $0x2;
	v4 =	vld [tilespmem:s9+$0xA220]  }
0xd0: {  	s10 =	sadd.s32 $0x200, s10;
	v2 =	vld [tilespmem:s6+$0x30];
	v5 =	vadd.f32 v5, v7;
	[tilespmem:s9+$0x14230] =	vst v6  }
0xd1: {  	v6 =	vld [tilespmem:s6+$0xA230]  }
0xd2: {  	v7 =	vld [tilespmem:s6+$0x0];
	[tilespmem:s9+$0x14200] =	vst v5;
	v1 =	vadd.f32 v3, v1  }
0xd3: {  	v62 =	vld [tilespmem:s6+$0xA200]  }
0xd4: {  	v5 =	vld [tilespmem:s6+$0x10];
	[tilespmem:s9+$0x14210] =	vst v1;
	v0 =	vadd.f32 v4, v0  }
0xd5: {  	v1 =	vld [tilespmem:s6+$0xA210]  }
0xd6: {  	v63 =	vld [tilespmem:s6+$0x20];
	[tilespmem:s9+$0x14220] =	vst v0  }
0xd7: {  	v0 =	vld [tilespmem:s6+$0xA220];
	_ =	sdelay $0x1  }
0xd8: {  	v2 =	vadd.f32 v6, v2  }
0xd9: {  	v3 =	vadd.f32 v62, v7  }
.Ltmp6:
0xda: {  	s11 =	sadd.s32 s5, s16;
	[tilespmem:s6+$0x14230] =	vst v2;
	v1 =	vadd.f32 v1, v5;
	(pc) =	sbr.rel @p0 .LBB2_12-.Ltmp6, $4  }
0xdb: {  	s9 =	smul.u32 $0x500, s11;
	[tilespmem:s6+$0x14200] =	vst v3;
	v0 =	vadd.f32 v0, v63  }
0xdc: {  	[tilespmem:s6+$0x14210] =	vst v1  }
0xdd: {  	s16 =	sadd.s32 s7, s9;
	[tilespmem:s6+$0x14220] =	vst v0  }
0xde: {  	[hbm4b:s16+s2] =	stream.linear.scatter [tilespmem:s18], [sflag:$0xC], $0x2680, $0x38;
	[tilespmem:$0x16A00] =	vst v63  }
0xdf: {  	_ =	swait.ge [sflag:s13], $0x2680  }
0xe0: {  	s6 =	sadd.s32 $0x6, s12;
	[sflag:s13] =	ssyncset.done $0x0  }
0xe1: {  	s9 =	sadd.s32 s5, s6;
	[sflag:s13] =	ssyncadd.s32 $0xFFFFD980  }
0xe2: {  	s6 =	sshll.u32 s6, $0x4;
	s9 =	sshll.u32 s9, $0x4;
	_ =	swait.ge [sflag:s19], $0x80  }
.Ltmp7:
0xe3: {  	s6 =	sand.u32 $0x60, s6;
	[sflag:s19] =	ssyncset.done $0x0;
	(pc) =	sbr.rel .LBB2_2-.Ltmp7, $4  }
0xe4: {  	s9 =	sand.u32 $0x7FF80, s9;
	s6 =	sadd.s32 s3, s6;
	[sflag:s19] =	ssyncadd.s32 $0xFFFFFF80  }
0xe5: {  	[tilespmem:s20], [sflag:$0x6] =	stream.indirect.gather [hbm4b:s4+s17], $0x80, s14, s17, $0xb8;
	[tilespmem:$0x16A00] =	vst v63  }
0xe6: {  	s8 =	sadd.s32 $0x1, s8;
	s6 =	sadd.s32 s9, s6  }
0xe7: {  	[tilespmem:s15], [sflag:$0x3] =	stream.linear.gather [hbm4b:s6+s2], $0x80, $0x38;
	[tilespmem:$0x16A00] =	vst v63  }
.LBB2_13:
0xe8: {  	_ =	sfence.sel $0x180000  }
0xe9: {  	[bflag:$0x0] =	sbarrier.arrive $0xFFFF  }
0xea: {  	_ =	strace $0x90000047  }
0xeb: {  	s0 =	stileid.u32;
	[bflag:$0x2] =	sbarrier.arrive $0xFFFF  }
0xec: {  	p0 =	sne.s32 s0, $0x0;
	s0 =	rddreg [dreg:$0x1]  }
0xed: {  	s0 =	sadd.s32 @!p0 $0x100000, s0  }
0xee: {  	[sflag:s0] =	ssyncadd.tile.s32 @!p0 $0x1;
	_ =	shalt  }
.Lfunc_end2:
_tile_overlayer_lowered:
.L_overlay_start_2:
0xef: {  	(tag) =	ssettag $0x2  }
0xf0: {  	s0 =	rddreg [dreg:$0x0];
	s2 =	stileid.u32  }
0xf1: {  	s1 =	rddreg [dreg:$0x1];
	p0 =	sne.s32 s2, $0x0  }
0xf2: {  	s3 =	rddreg [dreg:$0x2];
	[bflag:$0x3] =	sbarrier.arrive $0xFFFF;
	s2 =	simm.s32 @!p0 $0x1C0D  }
0xf3: {  	[timem:s3], [sflag:s2] =	dma.local @!p0 [hbm:s0], s1  }
0xf4: {  	s0 =	simm.s32 @!p0 $0xD  }
0xf5: {  	_ =	swait.ge @!p0 [sflag:s0], s1  }
0xf6: {  	s1 =	ssub.s32 @!p0 $0x0, s1;
	[sflag:s0] =	ssyncset.done @!p0 $0x0  }
0xf7: {  	[sflag:s0] =	ssyncadd.s32 @!p0 s1  }
0xf8: {  	[bflag:$0x3] =	sbarrier.arrive $0xFFFF  }
0xf9: {  	_ =	shalt  }

</sc_bundles>
